<compile_context>
chip_gen: v7x
topology: tpu7x:2x2x1
jax: 0.10.2.dev20260603
libtpu: 0.0.44.dev20260713+nightly
codegen_flags: <defaults>
</compile_context>

<pallas_src>
import functools

import jax
import jax.numpy as jnp
from jax import lax
from jax.experimental import pallas as pl
from jax.experimental.pallas import tpu as pltpu
from jax.experimental.pallas import tpu_sc as plsc

MEM_DIM = 128
TIME_DIM = 32
IDX_CHUNK = 128


def _sc_gather(ids2, memory, lut, ts2):
    n_rows_idx = ids2.shape[0]
    B = n_rows_idx * IDX_CHUNK
    info = plsc.get_sparse_core_info()
    nw = info.num_cores * info.num_subcores
    b_per_w = B // nw
    chunks = b_per_w // IDX_CHUNK
    mesh = plsc.VectorSubcoreMesh(core_axis_name="c", subcore_axis_name="s")

    @functools.partial(
        pl.kernel,
        mesh=mesh,
        out_type=(
            jax.ShapeDtypeStruct((B, MEM_DIM), jnp.float32),
            jax.ShapeDtypeStruct((n_rows_idx, IDX_CHUNK), jnp.float32),
        ),
        scratch_types=[
            pltpu.VMEM((chunks, IDX_CHUNK), jnp.int32),
            pltpu.VMEM((b_per_w, MEM_DIM), jnp.float32),
            pltpu.VMEM((chunks, IDX_CHUNK), jnp.float32),
            pltpu.VMEM((chunks, IDX_CHUNK), jnp.float32),
            pltpu.VMEM((chunks, IDX_CHUNK), jnp.float32),
            pltpu.SemaphoreType.DMA,
            pltpu.SemaphoreType.DMA,
            pltpu.SemaphoreType.DMA,
        ],
    )
    def k(ids_hbm, mem_hbm, lut_hbm, ts_hbm, rows_out, d_out,
          idx_v, rows_v, lt_v, ts_v, d_v, sem_r, sem_t, sem_w):
        wid = lax.axis_index("s") * info.num_cores + lax.axis_index("c")
        base = wid * b_per_w
        ts_cp = pltpu.async_copy(
            ts_hbm.at[pl.ds(wid * chunks, chunks)], ts_v, sem_w)
        pltpu.sync_copy(ids_hbm.at[pl.ds(wid * chunks, chunks)], idx_v)
        lut_cps = []
        row_cps = []
        for c in range(chunks):
            row_cps.append(pltpu.async_copy(
                mem_hbm.at[idx_v.at[c]],
                rows_v.at[pl.ds(c * IDX_CHUNK, IDX_CHUNK)], sem_r))
        for c in range(chunks):
            lut_cps.append(pltpu.async_copy(
                lut_hbm.at[idx_v.at[c]], lt_v.at[c], sem_t))
        ts_cp.wait()
        for cp in lut_cps:
            cp.wait()
        for c in range(chunks):
            for g in range(IDX_CHUNK // 16):
                sl = pl.ds(g * 16, 16)
                d_v[c, sl] = ts_v[c, sl] - lt_v[c, sl]
        d_cp = pltpu.async_copy(
            d_v, d_out.at[pl.ds(wid * chunks, chunks)], sem_t)
        wr = []
        for c in range(chunks):
            row_cps[c].wait()
            wr.append(pltpu.async_copy(
                rows_v.at[pl.ds(c * IDX_CHUNK, IDX_CHUNK)],
                rows_out.at[pl.ds(base + c * IDX_CHUNK, IDX_CHUNK)], sem_w))
        d_cp.wait()
        for cp in wr:
            cp.wait()

    return k(ids2, memory, lut, ts2)


def _tc_fuse(rows, delta2, W_time, b_time2, W_fusion, b_fusion2, eye):
    B = rows.shape[0]
    BLK = 8192
    grid = B // BLK
    sub = BLK // IDX_CHUNK

    def body(rows_ref, d_ref, wt_ref, bt_ref, wf_ref, bf_ref, eye_ref,
             out_ref):
        i = pl.program_id(0)
        cols = [
            lax.dot_general(
                eye_ref[...], d_ref[pl.ds(sub * i + r, 1), :],
                (((1,), (1,)), ((), ())),
                preferred_element_type=jnp.float32)
            for r in range(sub)
        ]
        dcol = jnp.concatenate(cols, axis=0)
        enc = jnp.tanh(dcol * wt_ref[...] + bt_ref[...])
        h = (jnp.dot(rows_ref[...], wf_ref[:MEM_DIM, :],
                     preferred_element_type=jnp.float32)
             + jnp.dot(enc, wf_ref[MEM_DIM:, :],
                       preferred_element_type=jnp.float32)
             + bf_ref[...])
        out_ref[...] = jnp.tanh(h)

    return pl.pallas_call(
        body,
        grid=(grid,),
        in_specs=[
            pl.BlockSpec((BLK, MEM_DIM), lambda i: (i, 0)),
            pl.BlockSpec((B // IDX_CHUNK, IDX_CHUNK), lambda i: (0, 0)),
            pl.BlockSpec((1, TIME_DIM), lambda i: (0, 0)),
            pl.BlockSpec((1, TIME_DIM), lambda i: (0, 0)),
            pl.BlockSpec((MEM_DIM + TIME_DIM, MEM_DIM), lambda i: (0, 0)),
            pl.BlockSpec((1, MEM_DIM), lambda i: (0, 0)),
            pl.BlockSpec((IDX_CHUNK, IDX_CHUNK), lambda i: (0, 0)),
        ],
        out_specs=pl.BlockSpec((BLK, MEM_DIM), lambda i: (i, 0)),
        out_shape=jax.ShapeDtypeStruct((B, MEM_DIM), jnp.float32),
    )(rows, delta2, W_time, b_time2, W_fusion, b_fusion2, eye)


def kernel(node_ids, timestamps, memory, last_update_time, W_time, b_time,
           W_fusion, b_fusion):
    B = node_ids.shape[0]
    ids2 = node_ids.astype(jnp.int32).reshape(B // IDX_CHUNK, IDX_CHUNK)
    ts2 = timestamps.reshape(B // IDX_CHUNK, IDX_CHUNK)
    rows, delta2 = _sc_gather(ids2, memory, last_update_time, ts2)
    eye = jnp.eye(IDX_CHUNK, dtype=jnp.float32)
    return _tc_fuse(rows, delta2, W_time, b_time.reshape(1, TIME_DIM),
                    W_fusion, b_fusion.reshape(1, MEM_DIM), eye)

# --- scband reference (transcript-rebuilt; emitter-appended) ---
"""Pipeline reference for scband-memory-module-91027536872091 (READ-ONLY COPY).

The authoritative reference and input builder live on the scoring server;
editing this copy changes nothing except your own understanding.
"""

import jax, jax.numpy as jnp
import numpy as np

N_NODES = 1000000
MEM_DIM = 128
TIME_DIM = 32
BATCH = 16384


def setup_inputs(seed: int = 0) -> dict:
    key = jax.random.key(seed)
    ks = jax.random.split(key, 8)
    node_ids = jax.random.randint(ks[0], (BATCH,), 0, N_NODES)
    timestamps = jax.random.uniform(ks[1], (BATCH,), dtype=jnp.float32) * 100.0
    # persistent buffers (state)
    memory = jax.random.normal(ks[2], (N_NODES, MEM_DIM), dtype=jnp.float32) * 0.1
    last_update_time = jax.random.uniform(ks[3], (N_NODES,), dtype=jnp.float32) * 100.0
    # learned params: time_encoder Linear(1, time_dim), memory_time_fusion Linear(mem+time, mem)
    W_time = jax.random.normal(ks[4], (1, TIME_DIM), dtype=jnp.float32)
    b_time = jnp.zeros((TIME_DIM,), dtype=jnp.float32)
    W_fusion = jax.random.normal(ks[5], (MEM_DIM + TIME_DIM, MEM_DIM), dtype=jnp.float32) * (1.0 / np.sqrt(MEM_DIM + TIME_DIM))
    b_fusion = jnp.zeros((MEM_DIM,), dtype=jnp.float32)
    return {
        "node_ids": node_ids,
        "timestamps": timestamps,
        "memory": memory,
        "last_update_time": last_update_time,
        "W_time": W_time,
        "b_time": b_time,
        "W_fusion": W_fusion,
        "b_fusion": b_fusion,
    }


def reference(node_ids, timestamps, memory, last_update_time, W_time, b_time, W_fusion, b_fusion):
    # MemoryModule.get_memory
    node_memory = jnp.take(memory, node_ids, axis=0)                      # gather [B, mem]
    last_t = jnp.take(last_update_time, node_ids, axis=0)                 # gather [B]
    time_deltas = (timestamps - last_t)[:, None]                          # [B, 1]
    time_encoding = jnp.tanh(time_deltas @ W_time + b_time)               # [B, time]
    memory_with_time = jnp.concatenate([node_memory, time_encoding], axis=-1)
    updated_memory = jnp.tanh(memory_with_time @ W_fusion + b_fusion)     # [B, mem]
    return updated_memory

if __name__ == "__main__":
    import jax
    _d = setup_inputs()
    print(jax.jit(kernel)(*tuple(_d.values())))

</pallas_src>

<mosaic_0001>
#map = affine_map<(d0, d1) -> (0, 0)>
#map1 = affine_map<(d0, d1) -> (0)>
module attributes {stable_mosaic.version = 14 : i64} {
  func.func @k(%arg0: i32, %arg1: i32, %arg2: memref<128x128xi32, #tpu.memory_space<hbm>>, %arg3: memref<1000000x128xf32, #tpu.memory_space<hbm>>, %arg4: memref<1000000xf32, #tpu.memory_space<hbm>>, %arg5: memref<128x128xf32, #tpu.memory_space<hbm>>, %arg6: memref<16384x128xf32, #tpu.memory_space<hbm>>, %arg7: memref<128x128xf32, #tpu.memory_space<hbm>>, %arg8: memref<4x128xi32, #tpu.memory_space<vmem>>, %arg9: memref<512x128xf32, #tpu.memory_space<vmem>>, %arg10: memref<4x128xf32, #tpu.memory_space<vmem>>, %arg11: memref<4x128xf32, #tpu.memory_space<vmem>>, %arg12: memref<4x128xf32, #tpu.memory_space<vmem>>, %arg13: memref<!tpu.dma_semaphore, #tpu.memory_space<semaphore_mem>>, %arg14: memref<!tpu.dma_semaphore, #tpu.memory_space<semaphore_mem>>, %arg15: memref<!tpu.dma_semaphore, #tpu.memory_space<semaphore_mem>>) attributes {dimension_semantics = [#tpu.dimension_semantics<core_parallel>, #tpu.dimension_semantics<subcore_parallel>], iteration_bounds = array<i64: 2, 16>, scalar_prefetch = 0 : i64, scratch_operands = 8 : i64, tpu.core_type = #tpu.core_type<sc_vector_subcore>, window_params = [{transform_indices = #map}, {transform_indices = #map}, {transform_indices = #map1}, {transform_indices = #map}, {transform_indices = #map}, {transform_indices = #map}]} {
    %mul3A = arith.constant 2 : i32
    %mul3A_0 = arith.muli %arg1, %mul3A : i32
    %add3A = arith.addi %mul3A_0, %arg0 : i32
    %mul3A_1 = arith.constant 512 : i32
    %mul3A_2 = arith.muli %add3A, %mul3A_1 : i32
    %mul3A_3 = arith.constant 4 : i32
    %mul3A_4 = arith.muli %add3A, %mul3A_3 : i32
    %dma_start3A = arith.constant 0 : i32
    %dma_start3A_5 = tpu.memref_slice %arg5[%mul3A_4, %dma_start3A] : memref<128x128xf32, #tpu.memory_space<hbm>> -> memref<4x128xf32, #tpu.memory_space<hbm>>
    %dma_start3A_6 = arith.constant 0 : i32
    %dma_start3A_7 = tpu.memref_slice %arg5[%mul3A_4, %dma_start3A_6] : memref<128x128xf32, #tpu.memory_space<hbm>> -> memref<4x128xf32, #tpu.memory_space<hbm>>
    tpu.enqueue_dma source(%dma_start3A_7 : memref<4x128xf32, #tpu.memory_space<hbm>>) target(%arg11 : memref<4x128xf32, #tpu.memory_space<vmem>>) target_semaphore(%arg15 : memref<!tpu.dma_semaphore, #tpu.memory_space<semaphore_mem>>)
    %mul3A_8 = arith.constant 4 : i32
    %mul3A_9 = arith.muli %add3A, %mul3A_8 : i32
    "tpu.region"() ({
      %run_scoped3A = tpu.sem_alloc : memref<!tpu.dma_semaphore, #tpu.memory_space<semaphore_mem>>
      %dma_start3A_812 = arith.constant 0 : i32
      %dma_start3A_813 = tpu.memref_slice %arg2[%mul3A_9, %dma_start3A_812] : memref<128x128xi32, #tpu.memory_space<hbm>> -> memref<4x128xi32, #tpu.memory_space<hbm>>
      %dma_start3A_814 = arith.constant 0 : i32
      %dma_start3A_815 = tpu.memref_slice %arg2[%mul3A_9, %dma_start3A_814] : memref<128x128xi32, #tpu.memory_space<hbm>> -> memref<4x128xi32, #tpu.memory_space<hbm>>
      tpu.enqueue_dma source(%dma_start3A_815 : memref<4x128xi32, #tpu.memory_space<hbm>>) target(%arg8 : memref<4x128xi32, #tpu.memory_space<vmem>>) target_semaphore(%run_scoped3A : memref<!tpu.dma_semaphore, #tpu.memory_space<semaphore_mem>>)
      %dma_wait3A_816 = arith.constant 0 : i32
      %dma_wait3A_817 = tpu.memref_slice %arg2[%mul3A_9, %dma_wait3A_816] : memref<128x128xi32, #tpu.memory_space<hbm>> -> memref<4x128xi32, #tpu.memory_space<hbm>>
      %dma_wait3A_818 = arith.constant 0 : i32
      %dma_wait3A_819 = tpu.memref_slice %arg2[%mul3A_9, %dma_wait3A_818] : memref<128x128xi32, #tpu.memory_space<hbm>> -> memref<4x128xi32, #tpu.memory_space<hbm>>
      tpu.wait_dma2 semaphore(%run_scoped3A : memref<!tpu.dma_semaphore, #tpu.memory_space<semaphore_mem>>) src(%dma_wait3A_819 : memref<4x128xi32, #tpu.memory_space<hbm>>) dst(%arg8 : memref<4x128xi32, #tpu.memory_space<vmem>>)
      tpu.yield
    }) : () -> ()
    %dma_start3A_10 = arith.constant 0 : i32
    %dma_start3A_11 = arith.constant 0 : i32
    %dma_start3A_12 = arith.constant 0 : i32
    %dma_start3A_13 = tpu.memref_slice %arg9[%dma_start3A_11, %dma_start3A_12] : memref<512x128xf32, #tpu.memory_space<vmem>> -> memref<128x128xf32, #tpu.memory_space<vmem>>
    %dma_start3A_14 = arith.constant 0 : i32
    %dma_start3A_15 = tpu.memref_slice %arg8[%dma_start3A_10, %dma_start3A_14] : memref<4x128xi32, #tpu.memory_space<vmem>> -> memref<1x128xi32, #tpu.memory_space<vmem>>
    %dma_start3A_16 = tpu.memref_squeeze %dma_start3A_15 : memref<1x128xi32, #tpu.memory_space<vmem>> -> memref<128xi32, #tpu.memory_space<vmem>>
    %dma_start3A_17 = arith.constant 0 : i32
    %dma_start3A_18 = arith.constant 0 : i32
    %dma_start3A_19 = tpu.memref_slice %arg3[%dma_start3A_17, %dma_start3A_18] : memref<1000000x128xf32, #tpu.memory_space<hbm>> -> memref<1000000x128xf32, #tpu.memory_space<hbm>>
    tpu.enqueue_indirect_dma source(%dma_start3A_19 : memref<1000000x128xf32, #tpu.memory_space<hbm>>) target(%dma_start3A_13 : memref<128x128xf32, #tpu.memory_space<vmem>>) offsets(%dma_start3A_16 : memref<128xi32, #tpu.memory_space<vmem>>) semaphore(%arg13 : memref<!tpu.dma_semaphore, #tpu.memory_space<semaphore_mem>>)
    %dma_start3A_20 = arith.constant 1 : i32
    %dma_start3A_21 = arith.constant 128 : i32
    %dma_start3A_22 = arith.constant 0 : i32
    %dma_start3A_23 = tpu.memref_slice %arg9[%dma_start3A_21, %dma_start3A_22] : memref<512x128xf32, #tpu.memory_space<vmem>> -> memref<128x128xf32, #tpu.memory_space<vmem>>
    %dma_start3A_24 = arith.constant 0 : i32
    %dma_start3A_25 = tpu.memref_slice %arg8[%dma_start3A_20, %dma_start3A_24] : memref<4x128xi32, #tpu.memory_space<vmem>> -> memref<1x128xi32, #tpu.memory_space<vmem>>
    %dma_start3A_26 = tpu.memref_squeeze %dma_start3A_25 : memref<1x128xi32, #tpu.memory_space<vmem>> -> memref<128xi32, #tpu.memory_space<vmem>>
    %dma_start3A_27 = arith.constant 0 : i32
    %dma_start3A_28 = arith.constant 0 : i32
    %dma_start3A_29 = tpu.memref_slice %arg3[%dma_start3A_27, %dma_start3A_28] : memref<1000000x128xf32, #tpu.memory_space<hbm>> -> memref<1000000x128xf32, #tpu.memory_space<hbm>>
    tpu.enqueue_indirect_dma source(%dma_start3A_29 : memref<1000000x128xf32, #tpu.memory_space<hbm>>) target(%dma_start3A_23 : memref<128x128xf32, #tpu.memory_space<vmem>>) offsets(%dma_start3A_26 : memref<128xi32, #tpu.memory_space<vmem>>) semaphore(%arg13 : memref<!tpu.dma_semaphore, #tpu.memory_space<semaphore_mem>>)
    %dma_start3A_30 = arith.constant 2 : i32
    %dma_start3A_31 = arith.constant 256 : i32
    %dma_start3A_32 = arith.constant 0 : i32
    %dma_start3A_33 = tpu.memref_slice %arg9[%dma_start3A_31, %dma_start3A_32] : memref<512x128xf32, #tpu.memory_space<vmem>> -> memref<128x128xf32, #tpu.memory_space<vmem>>
    %dma_start3A_34 = arith.constant 0 : i32
    %dma_start3A_35 = tpu.memref_slice %arg8[%dma_start3A_30, %dma_start3A_34] : memref<4x128xi32, #tpu.memory_space<vmem>> -> memref<1x128xi32, #tpu.memory_space<vmem>>
    %dma_start3A_36 = tpu.memref_squeeze %dma_start3A_35 : memref<1x128xi32, #tpu.memory_space<vmem>> -> memref<128xi32, #tpu.memory_space<vmem>>
    %dma_start3A_37 = arith.constant 0 : i32
    %dma_start3A_38 = arith.constant 0 : i32
    %dma_start3A_39 = tpu.memref_slice %arg3[%dma_start3A_37, %dma_start3A_38] : memref<1000000x128xf32, #tpu.memory_space<hbm>> -> memref<1000000x128xf32, #tpu.memory_space<hbm>>
    tpu.enqueue_indirect_dma source(%dma_start3A_39 : memref<1000000x128xf32, #tpu.memory_space<hbm>>) target(%dma_start3A_33 : memref<128x128xf32, #tpu.memory_space<vmem>>) offsets(%dma_start3A_36 : memref<128xi32, #tpu.memory_space<vmem>>) semaphore(%arg13 : memref<!tpu.dma_semaphore, #tpu.memory_space<semaphore_mem>>)
    %dma_start3A_40 = arith.constant 3 : i32
    %dma_start3A_41 = arith.constant 384 : i32
    %dma_start3A_42 = arith.constant 0 : i32
    %dma_start3A_43 = tpu.memref_slice %arg9[%dma_start3A_41, %dma_start3A_42] : memref<512x128xf32, #tpu.memory_space<vmem>> -> memref<128x128xf32, #tpu.memory_space<vmem>>
    %dma_start3A_44 = arith.constant 0 : i32
    %dma_start3A_45 = tpu.memref_slice %arg8[%dma_start3A_40, %dma_start3A_44] : memref<4x128xi32, #tpu.memory_space<vmem>> -> memref<1x128xi32, #tpu.memory_space<vmem>>
    %dma_start3A_46 = tpu.memref_squeeze %dma_start3A_45 : memref<1x128xi32, #tpu.memory_space<vmem>> -> memref<128xi32, #tpu.memory_space<vmem>>
    %dma_start3A_47 = arith.constant 0 : i32
    %dma_start3A_48 = arith.constant 0 : i32
    %dma_start3A_49 = tpu.memref_slice %arg3[%dma_start3A_47, %dma_start3A_48] : memref<1000000x128xf32, #tpu.memory_space<hbm>> -> memref<1000000x128xf32, #tpu.memory_space<hbm>>
    tpu.enqueue_indirect_dma source(%dma_start3A_49 : memref<1000000x128xf32, #tpu.memory_space<hbm>>) target(%dma_start3A_43 : memref<128x128xf32, #tpu.memory_space<vmem>>) offsets(%dma_start3A_46 : memref<128xi32, #tpu.memory_space<vmem>>) semaphore(%arg13 : memref<!tpu.dma_semaphore, #tpu.memory_space<semaphore_mem>>)
    %dma_start3A_50 = arith.constant 0 : i32
    %dma_start3A_51 = arith.constant 0 : i32
    %dma_start3A_52 = arith.constant 0 : i32
    %dma_start3A_53 = tpu.memref_slice %arg10[%dma_start3A_51, %dma_start3A_52] : memref<4x128xf32, #tpu.memory_space<vmem>> -> memref<1x128xf32, #tpu.memory_space<vmem>>
    %dma_start3A_54 = tpu.memref_squeeze %dma_start3A_53 : memref<1x128xf32, #tpu.memory_space<vmem>> -> memref<128xf32, #tpu.memory_space<vmem>>
    %dma_start3A_55 = arith.constant 0 : i32
    %dma_start3A_56 = tpu.memref_slice %arg8[%dma_start3A_50, %dma_start3A_55] : memref<4x128xi32, #tpu.memory_space<vmem>> -> memref<1x128xi32, #tpu.memory_space<vmem>>
    %dma_start3A_57 = tpu.memref_squeeze %dma_start3A_56 : memref<1x128xi32, #tpu.memory_space<vmem>> -> memref<128xi32, #tpu.memory_space<vmem>>
    %dma_start3A_58 = arith.constant 0 : i32
    %dma_start3A_59 = tpu.memref_slice %arg4[%dma_start3A_58] : memref<1000000xf32, #tpu.memory_space<hbm>> -> memref<1000000xf32, #tpu.memory_space<hbm>>
    tpu.enqueue_indirect_dma source(%dma_start3A_59 : memref<1000000xf32, #tpu.memory_space<hbm>>) target(%dma_start3A_54 : memref<128xf32, #tpu.memory_space<vmem>>) offsets(%dma_start3A_57 : memref<128xi32, #tpu.memory_space<vmem>>) semaphore(%arg14 : memref<!tpu.dma_semaphore, #tpu.memory_space<semaphore_mem>>)
    %dma_start3A_60 = arith.constant 1 : i32
    %dma_start3A_61 = arith.constant 1 : i32
    %dma_start3A_62 = arith.constant 0 : i32
    %dma_start3A_63 = tpu.memref_slice %arg10[%dma_start3A_61, %dma_start3A_62] : memref<4x128xf32, #tpu.memory_space<vmem>> -> memref<1x128xf32, #tpu.memory_space<vmem>>
    %dma_start3A_64 = tpu.memref_squeeze %dma_start3A_63 : memref<1x128xf32, #tpu.memory_space<vmem>> -> memref<128xf32, #tpu.memory_space<vmem>>
    %dma_start3A_65 = arith.constant 0 : i32
    %dma_start3A_66 = tpu.memref_slice %arg8[%dma_start3A_60, %dma_start3A_65] : memref<4x128xi32, #tpu.memory_space<vmem>> -> memref<1x128xi32, #tpu.memory_space<vmem>>
    %dma_start3A_67 = tpu.memref_squeeze %dma_start3A_66 : memref<1x128xi32, #tpu.memory_space<vmem>> -> memref<128xi32, #tpu.memory_space<vmem>>
    %dma_start3A_68 = arith.constant 0 : i32
    %dma_start3A_69 = tpu.memref_slice %arg4[%dma_start3A_68] : memref<1000000xf32, #tpu.memory_space<hbm>> -> memref<1000000xf32, #tpu.memory_space<hbm>>
    tpu.enqueue_indirect_dma source(%dma_start3A_69 : memref<1000000xf32, #tpu.memory_space<hbm>>) target(%dma_start3A_64 : memref<128xf32, #tpu.memory_space<vmem>>) offsets(%dma_start3A_67 : memref<128xi32, #tpu.memory_space<vmem>>) semaphore(%arg14 : memref<!tpu.dma_semaphore, #tpu.memory_space<semaphore_mem>>)
    %dma_start3A_70 = arith.constant 2 : i32
    %dma_start3A_71 = arith.constant 2 : i32
    %dma_start3A_72 = arith.constant 0 : i32
    %dma_start3A_73 = tpu.memref_slice %arg10[%dma_start3A_71, %dma_start3A_72] : memref<4x128xf32, #tpu.memory_space<vmem>> -> memref<1x128xf32, #tpu.memory_space<vmem>>
    %dma_start3A_74 = tpu.memref_squeeze %dma_start3A_73 : memref<1x128xf32, #tpu.memory_space<vmem>> -> memref<128xf32, #tpu.memory_space<vmem>>
    %dma_start3A_75 = arith.constant 0 : i32
    %dma_start3A_76 = tpu.memref_slice %arg8[%dma_start3A_70, %dma_start3A_75] : memref<4x128xi32, #tpu.memory_space<vmem>> -> memref<1x128xi32, #tpu.memory_space<vmem>>
    %dma_start3A_77 = tpu.memref_squeeze %dma_start3A_76 : memref<1x128xi32, #tpu.memory_space<vmem>> -> memref<128xi32, #tpu.memory_space<vmem>>
    %dma_start3A_78 = arith.constant 0 : i32
    %dma_start3A_79 = tpu.memref_slice %arg4[%dma_start3A_78] : memref<1000000xf32, #tpu.memory_space<hbm>> -> memref<1000000xf32, #tpu.memory_space<hbm>>
    tpu.enqueue_indirect_dma source(%dma_start3A_79 : memref<1000000xf32, #tpu.memory_space<hbm>>) target(%dma_start3A_74 : memref<128xf32, #tpu.memory_space<vmem>>) offsets(%dma_start3A_77 : memref<128xi32, #tpu.memory_space<vmem>>) semaphore(%arg14 : memref<!tpu.dma_semaphore, #tpu.memory_space<semaphore_mem>>)
    %dma_start3A_80 = arith.constant 3 : i32
    %dma_start3A_81 = arith.constant 3 : i32
    %dma_start3A_82 = arith.constant 0 : i32
    %dma_start3A_83 = tpu.memref_slice %arg10[%dma_start3A_81, %dma_start3A_82] : memref<4x128xf32, #tpu.memory_space<vmem>> -> memref<1x128xf32, #tpu.memory_space<vmem>>
    %dma_start3A_84 = tpu.memref_squeeze %dma_start3A_83 : memref<1x128xf32, #tpu.memory_space<vmem>> -> memref<128xf32, #tpu.memory_space<vmem>>
    %dma_start3A_85 = arith.constant 0 : i32
    %dma_start3A_86 = tpu.memref_slice %arg8[%dma_start3A_80, %dma_start3A_85] : memref<4x128xi32, #tpu.memory_space<vmem>> -> memref<1x128xi32, #tpu.memory_space<vmem>>
    %dma_start3A_87 = tpu.memref_squeeze %dma_start3A_86 : memref<1x128xi32, #tpu.memory_space<vmem>> -> memref<128xi32, #tpu.memory_space<vmem>>
    %dma_start3A_88 = arith.constant 0 : i32
    %dma_start3A_89 = tpu.memref_slice %arg4[%dma_start3A_88] : memref<1000000xf32, #tpu.memory_space<hbm>> -> memref<1000000xf32, #tpu.memory_space<hbm>>
    tpu.enqueue_indirect_dma source(%dma_start3A_89 : memref<1000000xf32, #tpu.memory_space<hbm>>) target(%dma_start3A_84 : memref<128xf32, #tpu.memory_space<vmem>>) offsets(%dma_start3A_87 : memref<128xi32, #tpu.memory_space<vmem>>) semaphore(%arg14 : memref<!tpu.dma_semaphore, #tpu.memory_space<semaphore_mem>>)
    %dma_wait3A = arith.constant 0 : i32
    %dma_wait3A_90 = tpu.memref_slice %arg5[%mul3A_4, %dma_wait3A] : memref<128x128xf32, #tpu.memory_space<hbm>> -> memref<4x128xf32, #tpu.memory_space<hbm>>
    %dma_wait3A_91 = arith.constant 0 : i32
    %dma_wait3A_92 = tpu.memref_slice %arg5[%mul3A_4, %dma_wait3A_91] : memref<128x128xf32, #tpu.memory_space<hbm>> -> memref<4x128xf32, #tpu.memory_space<hbm>>
    tpu.wait_dma2 semaphore(%arg15 : memref<!tpu.dma_semaphore, #tpu.memory_space<semaphore_mem>>) src(%dma_wait3A_92 : memref<4x128xf32, #tpu.memory_space<hbm>>) dst(%arg11 : memref<4x128xf32, #tpu.memory_space<vmem>>)
    %dma_wait3A_93 = arith.constant 0 : i32
    %dma_wait3A_94 = arith.constant 0 : i32
    %dma_wait3A_95 = arith.constant 0 : i32
    %dma_wait3A_96 = tpu.memref_slice %arg10[%dma_wait3A_94, %dma_wait3A_95] : memref<4x128xf32, #tpu.memory_space<vmem>> -> memref<1x128xf32, #tpu.memory_space<vmem>>
    %dma_wait3A_97 = tpu.memref_squeeze %dma_wait3A_96 : memref<1x128xf32, #tpu.memory_space<vmem>> -> memref<128xf32, #tpu.memory_space<vmem>>
    %dma_wait3A_98 = arith.constant 0 : i32
    %dma_wait3A_99 = tpu.memref_slice %arg8[%dma_wait3A_93, %dma_wait3A_98] : memref<4x128xi32, #tpu.memory_space<vmem>> -> memref<1x128xi32, #tpu.memory_space<vmem>>
    %dma_wait3A_100 = tpu.memref_squeeze %dma_wait3A_99 : memref<1x128xi32, #tpu.memory_space<vmem>> -> memref<128xi32, #tpu.memory_space<vmem>>
    %dma_wait3A_101 = arith.constant 0 : i32
    %dma_wait3A_102 = tpu.memref_slice %arg4[%dma_wait3A_101] : memref<1000000xf32, #tpu.memory_space<hbm>> -> memref<1000000xf32, #tpu.memory_space<hbm>>
    tpu.wait_indirect_dma semaphore(%arg14 : memref<!tpu.dma_semaphore, #tpu.memory_space<semaphore_mem>>) src(%dma_wait3A_102 : memref<1000000xf32, #tpu.memory_space<hbm>>) dst(%dma_wait3A_97 : memref<128xf32, #tpu.memory_space<vmem>>)
    %dma_wait3A_103 = arith.constant 1 : i32
    %dma_wait3A_104 = arith.constant 1 : i32
    %dma_wait3A_105 = arith.constant 0 : i32
    %dma_wait3A_106 = tpu.memref_slice %arg10[%dma_wait3A_104, %dma_wait3A_105] : memref<4x128xf32, #tpu.memory_space<vmem>> -> memref<1x128xf32, #tpu.memory_space<vmem>>
    %dma_wait3A_107 = tpu.memref_squeeze %dma_wait3A_106 : memref<1x128xf32, #tpu.memory_space<vmem>> -> memref<128xf32, #tpu.memory_space<vmem>>
    %dma_wait3A_108 = arith.constant 0 : i32
    %dma_wait3A_109 = tpu.memref_slice %arg8[%dma_wait3A_103, %dma_wait3A_108] : memref<4x128xi32, #tpu.memory_space<vmem>> -> memref<1x128xi32, #tpu.memory_space<vmem>>
    %dma_wait3A_110 = tpu.memref_squeeze %dma_wait3A_109 : memref<1x128xi32, #tpu.memory_space<vmem>> -> memref<128xi32, #tpu.memory_space<vmem>>
    %dma_wait3A_111 = arith.constant 0 : i32
    %dma_wait3A_112 = tpu.memref_slice %arg4[%dma_wait3A_111] : memref<1000000xf32, #tpu.memory_space<hbm>> -> memref<1000000xf32, #tpu.memory_space<hbm>>
    tpu.wait_indirect_dma semaphore(%arg14 : memref<!tpu.dma_semaphore, #tpu.memory_space<semaphore_mem>>) src(%dma_wait3A_112 : memref<1000000xf32, #tpu.memory_space<hbm>>) dst(%dma_wait3A_107 : memref<128xf32, #tpu.memory_space<vmem>>)
    %dma_wait3A_113 = arith.constant 2 : i32
    %dma_wait3A_114 = arith.constant 2 : i32
    %dma_wait3A_115 = arith.constant 0 : i32
    %dma_wait3A_116 = tpu.memref_slice %arg10[%dma_wait3A_114, %dma_wait3A_115] : memref<4x128xf32, #tpu.memory_space<vmem>> -> memref<1x128xf32, #tpu.memory_space<vmem>>
    %dma_wait3A_117 = tpu.memref_squeeze %dma_wait3A_116 : memref<1x128xf32, #tpu.memory_space<vmem>> -> memref<128xf32, #tpu.memory_space<vmem>>
    %dma_wait3A_118 = arith.constant 0 : i32
    %dma_wait3A_119 = tpu.memref_slice %arg8[%dma_wait3A_113, %dma_wait3A_118] : memref<4x128xi32, #tpu.memory_space<vmem>> -> memref<1x128xi32, #tpu.memory_space<vmem>>
    %dma_wait3A_120 = tpu.memref_squeeze %dma_wait3A_119 : memref<1x128xi32, #tpu.memory_space<vmem>> -> memref<128xi32, #tpu.memory_space<vmem>>
    %dma_wait3A_121 = arith.constant 0 : i32
    %dma_wait3A_122 = tpu.memref_slice %arg4[%dma_wait3A_121] : memref<1000000xf32, #tpu.memory_space<hbm>> -> memref<1000000xf32, #tpu.memory_space<hbm>>
    tpu.wait_indirect_dma semaphore(%arg14 : memref<!tpu.dma_semaphore, #tpu.memory_space<semaphore_mem>>) src(%dma_wait3A_122 : memref<1000000xf32, #tpu.memory_space<hbm>>) dst(%dma_wait3A_117 : memref<128xf32, #tpu.memory_space<vmem>>)
    %dma_wait3A_123 = arith.constant 3 : i32
    %dma_wait3A_124 = arith.constant 3 : i32
    %dma_wait3A_125 = arith.constant 0 : i32
    %dma_wait3A_126 = tpu.memref_slice %arg10[%dma_wait3A_124, %dma_wait3A_125] : memref<4x128xf32, #tpu.memory_space<vmem>> -> memref<1x128xf32, #tpu.memory_space<vmem>>
    %dma_wait3A_127 = tpu.memref_squeeze %dma_wait3A_126 : memref<1x128xf32, #tpu.memory_space<vmem>> -> memref<128xf32, #tpu.memory_space<vmem>>
    %dma_wait3A_128 = arith.constant 0 : i32
    %dma_wait3A_129 = tpu.memref_slice %arg8[%dma_wait3A_123, %dma_wait3A_128] : memref<4x128xi32, #tpu.memory_space<vmem>> -> memref<1x128xi32, #tpu.memory_space<vmem>>
    %dma_wait3A_130 = tpu.memref_squeeze %dma_wait3A_129 : memref<1x128xi32, #tpu.memory_space<vmem>> -> memref<128xi32, #tpu.memory_space<vmem>>
    %dma_wait3A_131 = arith.constant 0 : i32
    %dma_wait3A_132 = tpu.memref_slice %arg4[%dma_wait3A_131] : memref<1000000xf32, #tpu.memory_space<hbm>> -> memref<1000000xf32, #tpu.memory_space<hbm>>
    tpu.wait_indirect_dma semaphore(%arg14 : memref<!tpu.dma_semaphore, #tpu.memory_space<semaphore_mem>>) src(%dma_wait3A_132 : memref<1000000xf32, #tpu.memory_space<hbm>>) dst(%dma_wait3A_127 : memref<128xf32, #tpu.memory_space<vmem>>)
    %get3A = arith.constant 0 : i32
    %get3A_133 = arith.index_cast %get3A : i32 to index
    %get3A_134 = arith.constant 0 : index
    %get3A_135 = tpu.vector_load %arg11[%get3A_133, %get3A_134] {strides = array<i32>} : memref<4x128xf32, #tpu.memory_space<vmem>>, vector<1x16xf32>,
    %get3A_136 = vector.shape_cast %get3A_135 : vector<1x16xf32> to vector<16xf32>
    %get3A_137 = arith.constant 0 : i32
    %get3A_138 = arith.index_cast %get3A_137 : i32 to index
    %get3A_139 = arith.constant 0 : index
    %get3A_140 = tpu.vector_load %arg10[%get3A_138, %get3A_139] {strides = array<i32>} : memref<4x128xf32, #tpu.memory_space<vmem>>, vector<1x16xf32>,
    %get3A_141 = vector.shape_cast %get3A_140 : vector<1x16xf32> to vector<16xf32>
    %sub3A = arith.subf %get3A_136, %get3A_141 : vector<16xf32>
    %swap3A = arith.constant 0 : i32
    %swap3A_142 = arith.index_cast %swap3A : i32 to index
    %swap3A_143 = arith.constant 0 : index
    %swap3A_144 = tpu.vector_load %arg12[%swap3A_142, %swap3A_143] {strides = array<i32>} : memref<4x128xf32, #tpu.memory_space<vmem>>, vector<1x16xf32>,
    %swap3A_145 = vector.shape_cast %swap3A_144 : vector<1x16xf32> to vector<16xf32>
    %swap3A_146 = vector.shape_cast %sub3A : vector<16xf32> to vector<1x16xf32>
    tpu.vector_store %arg12[%swap3A_142, %swap3A_143], %swap3A_146 {strides = array<i32>} : memref<4x128xf32, #tpu.memory_space<vmem>>, vector<1x16xf32>,
    %get3A_147 = arith.constant 0 : i32
    %get3A_148 = arith.index_cast %get3A_147 : i32 to index
    %get3A_149 = arith.constant 16 : index
    %get3A_150 = tpu.vector_load %arg11[%get3A_148, %get3A_149] {strides = array<i32>} : memref<4x128xf32, #tpu.memory_space<vmem>>, vector<1x16xf32>,
    %get3A_151 = vector.shape_cast %get3A_150 : vector<1x16xf32> to vector<16xf32>
    %get3A_152 = arith.constant 0 : i32
    %get3A_153 = arith.index_cast %get3A_152 : i32 to index
    %get3A_154 = arith.constant 16 : index
    %get3A_155 = tpu.vector_load %arg10[%get3A_153, %get3A_154] {strides = array<i32>} : memref<4x128xf32, #tpu.memory_space<vmem>>, vector<1x16xf32>,
    %get3A_156 = vector.shape_cast %get3A_155 : vector<1x16xf32> to vector<16xf32>
    %sub3A_157 = arith.subf %get3A_151, %get3A_156 : vector<16xf32>
    %swap3A_158 = arith.constant 0 : i32
    %swap3A_159 = arith.index_cast %swap3A_158 : i32 to index
    %swap3A_160 = arith.constant 16 : index
    %swap3A_161 = tpu.vector_load %arg12[%swap3A_159, %swap3A_160] {strides = array<i32>} : memref<4x128xf32, #tpu.memory_space<vmem>>, vector<1x16xf32>,
    %swap3A_162 = vector.shape_cast %swap3A_161 : vector<1x16xf32> to vector<16xf32>
    %swap3A_163 = vector.shape_cast %sub3A_157 : vector<16xf32> to vector<1x16xf32>
    tpu.vector_store %arg12[%swap3A_159, %swap3A_160], %swap3A_163 {strides = array<i32>} : memref<4x128xf32, #tpu.memory_space<vmem>>, vector<1x16xf32>,
    %get3A_164 = arith.constant 0 : i32
    %get3A_165 = arith.index_cast %get3A_164 : i32 to index
    %get3A_166 = arith.constant 32 : index
    %get3A_167 = tpu.vector_load %arg11[%get3A_165, %get3A_166] {strides = array<i32>} : memref<4x128xf32, #tpu.memory_space<vmem>>, vector<1x16xf32>,
    %get3A_168 = vector.shape_cast %get3A_167 : vector<1x16xf32> to vector<16xf32>
    %get3A_169 = arith.constant 0 : i32
    %get3A_170 = arith.index_cast %get3A_169 : i32 to index
    %get3A_171 = arith.constant 32 : index
    %get3A_172 = tpu.vector_load %arg10[%get3A_170, %get3A_171] {strides = array<i32>} : memref<4x128xf32, #tpu.memory_space<vmem>>, vector<1x16xf32>,
    %get3A_173 = vector.shape_cast %get3A_172 : vector<1x16xf32> to vector<16xf32>
    %sub3A_174 = arith.subf %get3A_168, %get3A_173 : vector<16xf32>
    %swap3A_175 = arith.constant 0 : i32
    %swap3A_176 = arith.index_cast %swap3A_175 : i32 to index
    %swap3A_177 = arith.constant 32 : index
    %swap3A_178 = tpu.vector_load %arg12[%swap3A_176, %swap3A_177] {strides = array<i32>} : memref<4x128xf32, #tpu.memory_space<vmem>>, vector<1x16xf32>,
    %swap3A_179 = vector.shape_cast %swap3A_178 : vector<1x16xf32> to vector<16xf32>
    %swap3A_180 = vector.shape_cast %sub3A_174 : vector<16xf32> to vector<1x16xf32>
    tpu.vector_store %arg12[%swap3A_176, %swap3A_177], %swap3A_180 {strides = array<i32>} : memref<4x128xf32, #tpu.memory_space<vmem>>, vector<1x16xf32>,
    %get3A_181 = arith.constant 0 : i32
    %get3A_182 = arith.index_cast %get3A_181 : i32 to index
    %get3A_183 = arith.constant 48 : index
    %get3A_184 = tpu.vector_load %arg11[%get3A_182, %get3A_183] {strides = array<i32>} : memref<4x128xf32, #tpu.memory_space<vmem>>, vector<1x16xf32>,
    %get3A_185 = vector.shape_cast %get3A_184 : vector<1x16xf32> to vector<16xf32>
    %get3A_186 = arith.constant 0 : i32
    %get3A_187 = arith.index_cast %get3A_186 : i32 to index
    %get3A_188 = arith.constant 48 : index
    %get3A_189 = tpu.vector_load %arg10[%get3A_187, %get3A_188] {strides = array<i32>} : memref<4x128xf32, #tpu.memory_space<vmem>>, vector<1x16xf32>,
    %get3A_190 = vector.shape_cast %get3A_189 : vector<1x16xf32> to vector<16xf32>
    %sub3A_191 = arith.subf %get3A_185, %get3A_190 : vector<16xf32>
    %swap3A_192 = arith.constant 0 : i32
    %swap3A_193 = arith.index_cast %swap3A_192 : i32 to index
    %swap3A_194 = arith.constant 48 : index
    %swap3A_195 = tpu.vector_load %arg12[%swap3A_193, %swap3A_194] {strides = array<i32>} : memref<4x128xf32, #tpu.memory_space<vmem>>, vector<1x16xf32>,
    %swap3A_196 = vector.shape_cast %swap3A_195 : vector<1x16xf32> to vector<16xf32>
    %swap3A_197 = vector.shape_cast %sub3A_191 : vector<16xf32> to vector<1x16xf32>
    tpu.vector_store %arg12[%swap3A_193, %swap3A_194], %swap3A_197 {strides = array<i32>} : memref<4x128xf32, #tpu.memory_space<vmem>>, vector<1x16xf32>,
    %get3A_198 = arith.constant 0 : i32
    %get3A_199 = arith.index_cast %get3A_198 : i32 to index
    %get3A_200 = arith.constant 64 : index
    %get3A_201 = tpu.vector_load %arg11[%get3A_199, %get3A_200] {strides = array<i32>} : memref<4x128xf32, #tpu.memory_space<vmem>>, vector<1x16xf32>,
    %get3A_202 = vector.shape_cast %get3A_201 : vector<1x16xf32> to vector<16xf32>
    %get3A_203 = arith.constant 0 : i32
    %get3A_204 = arith.index_cast %get3A_203 : i32 to index
    %get3A_205 = arith.constant 64 : index
    %get3A_206 = tpu.vector_load %arg10[%get3A_204, %get3A_205] {strides = array<i32>} : memref<4x128xf32, #tpu.memory_space<vmem>>, vector<1x16xf32>,
    %get3A_207 = vector.shape_cast %get3A_206 : vector<1x16xf32> to vector<16xf32>
    %sub3A_208 = arith.subf %get3A_202, %get3A_207 : vector<16xf32>
    %swap3A_209 = arith.constant 0 : i32
    %swap3A_210 = arith.index_cast %swap3A_209 : i32 to index
    %swap3A_211 = arith.constant 64 : index
    %swap3A_212 = tpu.vector_load %arg12[%swap3A_210, %swap3A_211] {strides = array<i32>} : memref<4x128xf32, #tpu.memory_space<vmem>>, vector<1x16xf32>,
    %swap3A_213 = vector.shape_cast %swap3A_212 : vector<1x16xf32> to vector<16xf32>
    %swap3A_214 = vector.shape_cast %sub3A_208 : vector<16xf32> to vector<1x16xf32>
    tpu.vector_store %arg12[%swap3A_210, %swap3A_211], %swap3A_214 {strides = array<i32>} : memref<4x128xf32, #tpu.memory_space<vmem>>, vector<1x16xf32>,
    %get3A_215 = arith.constant 0 : i32
    %get3A_216 = arith.index_cast %get3A_215 : i32 to index
    %get3A_217 = arith.constant 80 : index
    %get3A_218 = tpu.vector_load %arg11[%get3A_216, %get3A_217] {strides = array<i32>} : memref<4x128xf32, #tpu.memory_space<vmem>>, vector<1x16xf32>,
    %get3A_219 = vector.shape_cast %get3A_218 : vector<1x16xf32> to vector<16xf32>
    %get3A_220 = arith.constant 0 : i32
    %get3A_221 = arith.index_cast %get3A_220 : i32 to index
    %get3A_222 = arith.constant 80 : index
    %get3A_223 = tpu.vector_load %arg10[%get3A_221, %get3A_222] {strides = array<i32>} : memref<4x128xf32, #tpu.memory_space<vmem>>, vector<1x16xf32>,
    %get3A_224 = vector.shape_cast %get3A_223 : vector<1x16xf32> to vector<16xf32>
    %sub3A_225 = arith.subf %get3A_219, %get3A_224 : vector<16xf32>
    %swap3A_226 = arith.constant 0 : i32
    %swap3A_227 = arith.index_cast %swap3A_226 : i32 to index
    %swap3A_228 = arith.constant 80 : index
    %swap3A_229 = tpu.vector_load %arg12[%swap3A_227, %swap3A_228] {strides = array<i32>} : memref<4x128xf32, #tpu.memory_space<vmem>>, vector<1x16xf32>,
    %swap3A_230 = vector.shape_cast %swap3A_229 : vector<1x16xf32> to vector<16xf32>
    %swap3A_231 = vector.shape_cast %sub3A_225 : vector<16xf32> to vector<1x16xf32>
    tpu.vector_store %arg12[%swap3A_227, %swap3A_228], %swap3A_231 {strides = array<i32>} : memref<4x128xf32, #tpu.memory_space<vmem>>, vector<1x16xf32>,
    %get3A_232 = arith.constant 0 : i32
    %get3A_233 = arith.index_cast %get3A_232 : i32 to index
    %get3A_234 = arith.constant 96 : index
    %get3A_235 = tpu.vector_load %arg11[%get3A_233, %get3A_234] {strides = array<i32>} : memref<4x128xf32, #tpu.memory_space<vmem>>, vector<1x16xf32>,
    %get3A_236 = vector.shape_cast %get3A_235 : vector<1x16xf32> to vector<16xf32>
    %get3A_237 = arith.constant 0 : i32
    %get3A_238 = arith.index_cast %get3A_237 : i32 to index
    %get3A_239 = arith.constant 96 : index
    %get3A_240 = tpu.vector_load %arg10[%get3A_238, %get3A_239] {strides = array<i32>} : memref<4x128xf32, #tpu.memory_space<vmem>>, vector<1x16xf32>,
    %get3A_241 = vector.shape_cast %get3A_240 : vector<1x16xf32> to vector<16xf32>
    %sub3A_242 = arith.subf %get3A_236, %get3A_241 : vector<16xf32>
    %swap3A_243 = arith.constant 0 : i32
    %swap3A_244 = arith.index_cast %swap3A_243 : i32 to index
    %swap3A_245 = arith.constant 96 : index
    %swap3A_246 = tpu.vector_load %arg12[%swap3A_244, %swap3A_245] {strides = array<i32>} : memref<4x128xf32, #tpu.memory_space<vmem>>, vector<1x16xf32>,
    %swap3A_247 = vector.shape_cast %swap3A_246 : vector<1x16xf32> to vector<16xf32>
    %swap3A_248 = vector.shape_cast %sub3A_242 : vector<16xf32> to vector<1x16xf32>
    tpu.vector_store %arg12[%swap3A_244, %swap3A_245], %swap3A_248 {strides = array<i32>} : memref<4x128xf32, #tpu.memory_space<vmem>>, vector<1x16xf32>,
    %get3A_249 = arith.constant 0 : i32
    %get3A_250 = arith.index_cast %get3A_249 : i32 to index
    %get3A_251 = arith.constant 112 : index
    %get3A_252 = tpu.vector_load %arg11[%get3A_250, %get3A_251] {strides = array<i32>} : memref<4x128xf32, #tpu.memory_space<vmem>>, vector<1x16xf32>,
    %get3A_253 = vector.shape_cast %get3A_252 : vector<1x16xf32> to vector<16xf32>
    %get3A_254 = arith.constant 0 : i32
    %get3A_255 = arith.index_cast %get3A_254 : i32 to index
    %get3A_256 = arith.constant 112 : index
    %get3A_257 = tpu.vector_load %arg10[%get3A_255, %get3A_256] {strides = array<i32>} : memref<4x128xf32, #tpu.memory_space<vmem>>, vector<1x16xf32>,
    %get3A_258 = vector.shape_cast %get3A_257 : vector<1x16xf32> to vector<16xf32>
    %sub3A_259 = arith.subf %get3A_253, %get3A_258 : vector<16xf32>
    %swap3A_260 = arith.constant 0 : i32
    %swap3A_261 = arith.index_cast %swap3A_260 : i32 to index
    %swap3A_262 = arith.constant 112 : index
    %swap3A_263 = tpu.vector_load %arg12[%swap3A_261, %swap3A_262] {strides = array<i32>} : memref<4x128xf32, #tpu.memory_space<vmem>>, vector<1x16xf32>,
    %swap3A_264 = vector.shape_cast %swap3A_263 : vector<1x16xf32> to vector<16xf32>
    %swap3A_265 = vector.shape_cast %sub3A_259 : vector<16xf32> to vector<1x16xf32>
    tpu.vector_store %arg12[%swap3A_261, %swap3A_262], %swap3A_265 {strides = array<i32>} : memref<4x128xf32, #tpu.memory_space<vmem>>, vector<1x16xf32>,
    %get3A_266 = arith.constant 1 : i32
    %get3A_267 = arith.index_cast %get3A_266 : i32 to index
    %get3A_268 = arith.constant 0 : index
    %get3A_269 = tpu.vector_load %arg11[%get3A_267, %get3A_268] {strides = array<i32>} : memref<4x128xf32, #tpu.memory_space<vmem>>, vector<1x16xf32>,
    %get3A_270 = vector.shape_cast %get3A_269 : vector<1x16xf32> to vector<16xf32>
    %get3A_271 = arith.constant 1 : i32
    %get3A_272 = arith.index_cast %get3A_271 : i32 to index
    %get3A_273 = arith.constant 0 : index
    %get3A_274 = tpu.vector_load %arg10[%get3A_272, %get3A_273] {strides = array<i32>} : memref<4x128xf32, #tpu.memory_space<vmem>>, vector<1x16xf32>,
    %get3A_275 = vector.shape_cast %get3A_274 : vector<1x16xf32> to vector<16xf32>
    %sub3A_276 = arith.subf %get3A_270, %get3A_275 : vector<16xf32>
    %swap3A_277 = arith.constant 1 : i32
    %swap3A_278 = arith.index_cast %swap3A_277 : i32 to index
    %swap3A_279 = arith.constant 0 : index
    %swap3A_280 = tpu.vector_load %arg12[%swap3A_278, %swap3A_279] {strides = array<i32>} : memref<4x128xf32, #tpu.memory_space<vmem>>, vector<1x16xf32>,
    %swap3A_281 = vector.shape_cast %swap3A_280 : vector<1x16xf32> to vector<16xf32>
    %swap3A_282 = vector.shape_cast %sub3A_276 : vector<16xf32> to vector<1x16xf32>
    tpu.vector_store %arg12[%swap3A_278, %swap3A_279], %swap3A_282 {strides = array<i32>} : memref<4x128xf32, #tpu.memory_space<vmem>>, vector<1x16xf32>,
    %get3A_283 = arith.constant 1 : i32
    %get3A_284 = arith.index_cast %get3A_283 : i32 to index
    %get3A_285 = arith.constant 16 : index
    %get3A_286 = tpu.vector_load %arg11[%get3A_284, %get3A_285] {strides = array<i32>} : memref<4x128xf32, #tpu.memory_space<vmem>>, vector<1x16xf32>,
    %get3A_287 = vector.shape_cast %get3A_286 : vector<1x16xf32> to vector<16xf32>
    %get3A_288 = arith.constant 1 : i32
    %get3A_289 = arith.index_cast %get3A_288 : i32 to index
    %get3A_290 = arith.constant 16 : index
    %get3A_291 = tpu.vector_load %arg10[%get3A_289, %get3A_290] {strides = array<i32>} : memref<4x128xf32, #tpu.memory_space<vmem>>, vector<1x16xf32>,
    %get3A_292 = vector.shape_cast %get3A_291 : vector<1x16xf32> to vector<16xf32>
    %sub3A_293 = arith.subf %get3A_287, %get3A_292 : vector<16xf32>
    %swap3A_294 = arith.constant 1 : i32
    %swap3A_295 = arith.index_cast %swap3A_294 : i32 to index
    %swap3A_296 = arith.constant 16 : index
    %swap3A_297 = tpu.vector_load %arg12[%swap3A_295, %swap3A_296] {strides = array<i32>} : memref<4x128xf32, #tpu.memory_space<vmem>>, vector<1x16xf32>,
    %swap3A_298 = vector.shape_cast %swap3A_297 : vector<1x16xf32> to vector<16xf32>
    %swap3A_299 = vector.shape_cast %sub3A_293 : vector<16xf32> to vector<1x16xf32>
    tpu.vector_store %arg12[%swap3A_295, %swap3A_296], %swap3A_299 {strides = array<i32>} : memref<4x128xf32, #tpu.memory_space<vmem>>, vector<1x16xf32>,
    %get3A_300 = arith.constant 1 : i32
    %get3A_301 = arith.index_cast %get3A_300 : i32 to index
    %get3A_302 = arith.constant 32 : index
    %get3A_303 = tpu.vector_load %arg11[%get3A_301, %get3A_302] {strides = array<i32>} : memref<4x128xf32, #tpu.memory_space<vmem>>, vector<1x16xf32>,
    %get3A_304 = vector.shape_cast %get3A_303 : vector<1x16xf32> to vector<16xf32>
    %get3A_305 = arith.constant 1 : i32
    %get3A_306 = arith.index_cast %get3A_305 : i32 to index
    %get3A_307 = arith.constant 32 : index
    %get3A_308 = tpu.vector_load %arg10[%get3A_306, %get3A_307] {strides = array<i32>} : memref<4x128xf32, #tpu.memory_space<vmem>>, vector<1x16xf32>,
    %get3A_309 = vector.shape_cast %get3A_308 : vector<1x16xf32> to vector<16xf32>
    %sub3A_310 = arith.subf %get3A_304, %get3A_309 : vector<16xf32>
    %swap3A_311 = arith.constant 1 : i32
    %swap3A_312 = arith.index_cast %swap3A_311 : i32 to index
    %swap3A_313 = arith.constant 32 : index
    %swap3A_314 = tpu.vector_load %arg12[%swap3A_312, %swap3A_313] {strides = array<i32>} : memref<4x128xf32, #tpu.memory_space<vmem>>, vector<1x16xf32>,
    %swap3A_315 = vector.shape_cast %swap3A_314 : vector<1x16xf32> to vector<16xf32>
    %swap3A_316 = vector.shape_cast %sub3A_310 : vector<16xf32> to vector<1x16xf32>
    tpu.vector_store %arg12[%swap3A_312, %swap3A_313], %swap3A_316 {strides = array<i32>} : memref<4x128xf32, #tpu.memory_space<vmem>>, vector<1x16xf32>,
    %get3A_317 = arith.constant 1 : i32
    %get3A_318 = arith.index_cast %get3A_317 : i32 to index
    %get3A_319 = arith.constant 48 : index
    %get3A_320 = tpu.vector_load %arg11[%get3A_318, %get3A_319] {strides = array<i32>} : memref<4x128xf32, #tpu.memory_space<vmem>>, vector<1x16xf32>,
    %get3A_321 = vector.shape_cast %get3A_320 : vector<1x16xf32> to vector<16xf32>
    %get3A_322 = arith.constant 1 : i32
    %get3A_323 = arith.index_cast %get3A_322 : i32 to index
    %get3A_324 = arith.constant 48 : index
    %get3A_325 = tpu.vector_load %arg10[%get3A_323, %get3A_324] {strides = array<i32>} : memref<4x128xf32, #tpu.memory_space<vmem>>, vector<1x16xf32>,
    %get3A_326 = vector.shape_cast %get3A_325 : vector<1x16xf32> to vector<16xf32>
    %sub3A_327 = arith.subf %get3A_321, %get3A_326 : vector<16xf32>
    %swap3A_328 = arith.constant 1 : i32
    %swap3A_329 = arith.index_cast %swap3A_328 : i32 to index
    %swap3A_330 = arith.constant 48 : index
    %swap3A_331 = tpu.vector_load %arg12[%swap3A_329, %swap3A_330] {strides = array<i32>} : memref<4x128xf32, #tpu.memory_space<vmem>>, vector<1x16xf32>,
    %swap3A_332 = vector.shape_cast %swap3A_331 : vector<1x16xf32> to vector<16xf32>
    %swap3A_333 = vector.shape_cast %sub3A_327 : vector<16xf32> to vector<1x16xf32>
    tpu.vector_store %arg12[%swap3A_329, %swap3A_330], %swap3A_333 {strides = array<i32>} : memref<4x128xf32, #tpu.memory_space<vmem>>, vector<1x16xf32>,
    %get3A_334 = arith.constant 1 : i32
    %get3A_335 = arith.index_cast %get3A_334 : i32 to index
    %get3A_336 = arith.constant 64 : index
    %get3A_337 = tpu.vector_load %arg11[%get3A_335, %get3A_336] {strides = array<i32>} : memref<4x128xf32, #tpu.memory_space<vmem>>, vector<1x16xf32>,
    %get3A_338 = vector.shape_cast %get3A_337 : vector<1x16xf32> to vector<16xf32>
    %get3A_339 = arith.constant 1 : i32
    %get3A_340 = arith.index_cast %get3A_339 : i32 to index
    %get3A_341 = arith.constant 64 : index
    %get3A_342 = tpu.vector_load %arg10[%get3A_340, %get3A_341] {strides = array<i32>} : memref<4x128xf32, #tpu.memory_space<vmem>>, vector<1x16xf32>,
    %get3A_343 = vector.shape_cast %get3A_342 : vector<1x16xf32> to vector<16xf32>
    %sub3A_344 = arith.subf %get3A_338, %get3A_343 : vector<16xf32>
    %swap3A_345 = arith.constant 1 : i32
    %swap3A_346 = arith.index_cast %swap3A_345 : i32 to index
    %swap3A_347 = arith.constant 64 : index
    %swap3A_348 = tpu.vector_load %arg12[%swap3A_346, %swap3A_347] {strides = array<i32>} : memref<4x128xf32, #tpu.memory_space<vmem>>, vector<1x16xf32>,
    %swap3A_349 = vector.shape_cast %swap3A_348 : vector<1x16xf32> to vector<16xf32>
    %swap3A_350 = vector.shape_cast %sub3A_344 : vector<16xf32> to vector<1x16xf32>
    tpu.vector_store %arg12[%swap3A_346, %swap3A_347], %swap3A_350 {strides = array<i32>} : memref<4x128xf32, #tpu.memory_space<vmem>>, vector<1x16xf32>,
    %get3A_351 = arith.constant 1 : i32
    %get3A_352 = arith.index_cast %get3A_351 : i32 to index
    %get3A_353 = arith.constant 80 : index
    %get3A_354 = tpu.vector_load %arg11[%get3A_352, %get3A_353] {strides = array<i32>} : memref<4x128xf32, #tpu.memory_space<vmem>>, vector<1x16xf32>,
    %get3A_355 = vector.shape_cast %get3A_354 : vector<1x16xf32> to vector<16xf32>
    %get3A_356 = arith.constant 1 : i32
    %get3A_357 = arith.index_cast %get3A_356 : i32 to index
    %get3A_358 = arith.constant 80 : index
    %get3A_359 = tpu.vector_load %arg10[%get3A_357, %get3A_358] {strides = array<i32>} : memref<4x128xf32, #tpu.memory_space<vmem>>, vector<1x16xf32>,
    %get3A_360 = vector.shape_cast %get3A_359 : vector<1x16xf32> to vector<16xf32>
    %sub3A_361 = arith.subf %get3A_355, %get3A_360 : vector<16xf32>
    %swap3A_362 = arith.constant 1 : i32
    %swap3A_363 = arith.index_cast %swap3A_362 : i32 to index
    %swap3A_364 = arith.constant 80 : index
    %swap3A_365 = tpu.vector_load %arg12[%swap3A_363, %swap3A_364] {strides = array<i32>} : memref<4x128xf32, #tpu.memory_space<vmem>>, vector<1x16xf32>,
    %swap3A_366 = vector.shape_cast %swap3A_365 : vector<1x16xf32> to vector<16xf32>
    %swap3A_367 = vector.shape_cast %sub3A_361 : vector<16xf32> to vector<1x16xf32>
    tpu.vector_store %arg12[%swap3A_363, %swap3A_364], %swap3A_367 {strides = array<i32>} : memref<4x128xf32, #tpu.memory_space<vmem>>, vector<1x16xf32>,
    %get3A_368 = arith.constant 1 : i32
    %get3A_369 = arith.index_cast %get3A_368 : i32 to index
    %get3A_370 = arith.constant 96 : index
    %get3A_371 = tpu.vector_load %arg11[%get3A_369, %get3A_370] {strides = array<i32>} : memref<4x128xf32, #tpu.memory_space<vmem>>, vector<1x16xf32>,
    %get3A_372 = vector.shape_cast %get3A_371 : vector<1x16xf32> to vector<16xf32>
    %get3A_373 = arith.constant 1 : i32
    %get3A_374 = arith.index_cast %get3A_373 : i32 to index
    %get3A_375 = arith.constant 96 : index
    %get3A_376 = tpu.vector_load %arg10[%get3A_374, %get3A_375] {strides = array<i32>} : memref<4x128xf32, #tpu.memory_space<vmem>>, vector<1x16xf32>,
    %get3A_377 = vector.shape_cast %get3A_376 : vector<1x16xf32> to vector<16xf32>
    %sub3A_378 = arith.subf %get3A_372, %get3A_377 : vector<16xf32>
    %swap3A_379 = arith.constant 1 : i32
    %swap3A_380 = arith.index_cast %swap3A_379 : i32 to index
    %swap3A_381 = arith.constant 96 : index
    %swap3A_382 = tpu.vector_load %arg12[%swap3A_380, %swap3A_381] {strides = array<i32>} : memref<4x128xf32, #tpu.memory_space<vmem>>, vector<1x16xf32>,
    %swap3A_383 = vector.shape_cast %swap3A_382 : vector<1x16xf32> to vector<16xf32>
    %swap3A_384 = vector.shape_cast %sub3A_378 : vector<16xf32> to vector<1x16xf32>
    tpu.vector_store %arg12[%swap3A_380, %swap3A_381], %swap3A_384 {strides = array<i32>} : memref<4x128xf32, #tpu.memory_space<vmem>>, vector<1x16xf32>,
    %get3A_385 = arith.constant 1 : i32
    %get3A_386 = arith.index_cast %get3A_385 : i32 to index
    %get3A_387 = arith.constant 112 : index
    %get3A_388 = tpu.vector_load %arg11[%get3A_386, %get3A_387] {strides = array<i32>} : memref<4x128xf32, #tpu.memory_space<vmem>>, vector<1x16xf32>,
    %get3A_389 = vector.shape_cast %get3A_388 : vector<1x16xf32> to vector<16xf32>
    %get3A_390 = arith.constant 1 : i32
    %get3A_391 = arith.index_cast %get3A_390 : i32 to index
    %get3A_392 = arith.constant 112 : index
    %get3A_393 = tpu.vector_load %arg10[%get3A_391, %get3A_392] {strides = array<i32>} : memref<4x128xf32, #tpu.memory_space<vmem>>, vector<1x16xf32>,
    %get3A_394 = vector.shape_cast %get3A_393 : vector<1x16xf32> to vector<16xf32>
    %sub3A_395 = arith.subf %get3A_389, %get3A_394 : vector<16xf32>
    %swap3A_396 = arith.constant 1 : i32
    %swap3A_397 = arith.index_cast %swap3A_396 : i32 to index
    %swap3A_398 = arith.constant 112 : index
    %swap3A_399 = tpu.vector_load %arg12[%swap3A_397, %swap3A_398] {strides = array<i32>} : memref<4x128xf32, #tpu.memory_space<vmem>>, vector<1x16xf32>,
    %swap3A_400 = vector.shape_cast %swap3A_399 : vector<1x16xf32> to vector<16xf32>
    %swap3A_401 = vector.shape_cast %sub3A_395 : vector<16xf32> to vector<1x16xf32>
    tpu.vector_store %arg12[%swap3A_397, %swap3A_398], %swap3A_401 {strides = array<i32>} : memref<4x128xf32, #tpu.memory_space<vmem>>, vector<1x16xf32>,
    %get3A_402 = arith.constant 2 : i32
    %get3A_403 = arith.index_cast %get3A_402 : i32 to index
    %get3A_404 = arith.constant 0 : index
    %get3A_405 = tpu.vector_load %arg11[%get3A_403, %get3A_404] {strides = array<i32>} : memref<4x128xf32, #tpu.memory_space<vmem>>, vector<1x16xf32>,
    %get3A_406 = vector.shape_cast %get3A_405 : vector<1x16xf32> to vector<16xf32>
    %get3A_407 = arith.constant 2 : i32
    %get3A_408 = arith.index_cast %get3A_407 : i32 to index
    %get3A_409 = arith.constant 0 : index
    %get3A_410 = tpu.vector_load %arg10[%get3A_408, %get3A_409] {strides = array<i32>} : memref<4x128xf32, #tpu.memory_space<vmem>>, vector<1x16xf32>,
    %get3A_411 = vector.shape_cast %get3A_410 : vector<1x16xf32> to vector<16xf32>
    %sub3A_412 = arith.subf %get3A_406, %get3A_411 : vector<16xf32>
    %swap3A_413 = arith.constant 2 : i32
    %swap3A_414 = arith.index_cast %swap3A_413 : i32 to index
    %swap3A_415 = arith.constant 0 : index
    %swap3A_416 = tpu.vector_load %arg12[%swap3A_414, %swap3A_415] {strides = array<i32>} : memref<4x128xf32, #tpu.memory_space<vmem>>, vector<1x16xf32>,
    %swap3A_417 = vector.shape_cast %swap3A_416 : vector<1x16xf32> to vector<16xf32>
    %swap3A_418 = vector.shape_cast %sub3A_412 : vector<16xf32> to vector<1x16xf32>
    tpu.vector_store %arg12[%swap3A_414, %swap3A_415], %swap3A_418 {strides = array<i32>} : memref<4x128xf32, #tpu.memory_space<vmem>>, vector<1x16xf32>,
    %get3A_419 = arith.constant 2 : i32
    %get3A_420 = arith.index_cast %get3A_419 : i32 to index
    %get3A_421 = arith.constant 16 : index
    %get3A_422 = tpu.vector_load %arg11[%get3A_420, %get3A_421] {strides = array<i32>} : memref<4x128xf32, #tpu.memory_space<vmem>>, vector<1x16xf32>,
    %get3A_423 = vector.shape_cast %get3A_422 : vector<1x16xf32> to vector<16xf32>
    %get3A_424 = arith.constant 2 : i32
    %get3A_425 = arith.index_cast %get3A_424 : i32 to index
    %get3A_426 = arith.constant 16 : index
    %get3A_427 = tpu.vector_load %arg10[%get3A_425, %get3A_426] {strides = array<i32>} : memref<4x128xf32, #tpu.memory_space<vmem>>, vector<1x16xf32>,
    %get3A_428 = vector.shape_cast %get3A_427 : vector<1x16xf32> to vector<16xf32>
    %sub3A_429 = arith.subf %get3A_423, %get3A_428 : vector<16xf32>
    %swap3A_430 = arith.constant 2 : i32
    %swap3A_431 = arith.index_cast %swap3A_430 : i32 to index
    %swap3A_432 = arith.constant 16 : index
    %swap3A_433 = tpu.vector_load %arg12[%swap3A_431, %swap3A_432] {strides = array<i32>} : memref<4x128xf32, #tpu.memory_space<vmem>>, vector<1x16xf32>,
    %swap3A_434 = vector.shape_cast %swap3A_433 : vector<1x16xf32> to vector<16xf32>
    %swap3A_435 = vector.shape_cast %sub3A_429 : vector<16xf32> to vector<1x16xf32>
    tpu.vector_store %arg12[%swap3A_431, %swap3A_432], %swap3A_435 {strides = array<i32>} : memref<4x128xf32, #tpu.memory_space<vmem>>, vector<1x16xf32>,
    %get3A_436 = arith.constant 2 : i32
    %get3A_437 = arith.index_cast %get3A_436 : i32 to index
    %get3A_438 = arith.constant 32 : index
    %get3A_439 = tpu.vector_load %arg11[%get3A_437, %get3A_438] {strides = array<i32>} : memref<4x128xf32, #tpu.memory_space<vmem>>, vector<1x16xf32>,
    %get3A_440 = vector.shape_cast %get3A_439 : vector<1x16xf32> to vector<16xf32>
    %get3A_441 = arith.constant 2 : i32
    %get3A_442 = arith.index_cast %get3A_441 : i32 to index
    %get3A_443 = arith.constant 32 : index
    %get3A_444 = tpu.vector_load %arg10[%get3A_442, %get3A_443] {strides = array<i32>} : memref<4x128xf32, #tpu.memory_space<vmem>>, vector<1x16xf32>,
    %get3A_445 = vector.shape_cast %get3A_444 : vector<1x16xf32> to vector<16xf32>
    %sub3A_446 = arith.subf %get3A_440, %get3A_445 : vector<16xf32>
    %swap3A_447 = arith.constant 2 : i32
    %swap3A_448 = arith.index_cast %swap3A_447 : i32 to index
    %swap3A_449 = arith.constant 32 : index
    %swap3A_450 = tpu.vector_load %arg12[%swap3A_448, %swap3A_449] {strides = array<i32>} : memref<4x128xf32, #tpu.memory_space<vmem>>, vector<1x16xf32>,
    %swap3A_451 = vector.shape_cast %swap3A_450 : vector<1x16xf32> to vector<16xf32>
    %swap3A_452 = vector.shape_cast %sub3A_446 : vector<16xf32> to vector<1x16xf32>
    tpu.vector_store %arg12[%swap3A_448, %swap3A_449], %swap3A_452 {strides = array<i32>} : memref<4x128xf32, #tpu.memory_space<vmem>>, vector<1x16xf32>,
    %get3A_453 = arith.constant 2 : i32
    %get3A_454 = arith.index_cast %get3A_453 : i32 to index
    %get3A_455 = arith.constant 48 : index
    %get3A_456 = tpu.vector_load %arg11[%get3A_454, %get3A_455] {strides = array<i32>} : memref<4x128xf32, #tpu.memory_space<vmem>>, vector<1x16xf32>,
    %get3A_457 = vector.shape_cast %get3A_456 : vector<1x16xf32> to vector<16xf32>
    %get3A_458 = arith.constant 2 : i32
    %get3A_459 = arith.index_cast %get3A_458 : i32 to index
    %get3A_460 = arith.constant 48 : index
    %get3A_461 = tpu.vector_load %arg10[%get3A_459, %get3A_460] {strides = array<i32>} : memref<4x128xf32, #tpu.memory_space<vmem>>, vector<1x16xf32>,
    %get3A_462 = vector.shape_cast %get3A_461 : vector<1x16xf32> to vector<16xf32>
    %sub3A_463 = arith.subf %get3A_457, %get3A_462 : vector<16xf32>
    %swap3A_464 = arith.constant 2 : i32
    %swap3A_465 = arith.index_cast %swap3A_464 : i32 to index
    %swap3A_466 = arith.constant 48 : index
    %swap3A_467 = tpu.vector_load %arg12[%swap3A_465, %swap3A_466] {strides = array<i32>} : memref<4x128xf32, #tpu.memory_space<vmem>>, vector<1x16xf32>,
    %swap3A_468 = vector.shape_cast %swap3A_467 : vector<1x16xf32> to vector<16xf32>
    %swap3A_469 = vector.shape_cast %sub3A_463 : vector<16xf32> to vector<1x16xf32>
    tpu.vector_store %arg12[%swap3A_465, %swap3A_466], %swap3A_469 {strides = array<i32>} : memref<4x128xf32, #tpu.memory_space<vmem>>, vector<1x16xf32>,
    %get3A_470 = arith.constant 2 : i32
    %get3A_471 = arith.index_cast %get3A_470 : i32 to index
    %get3A_472 = arith.constant 64 : index
    %get3A_473 = tpu.vector_load %arg11[%get3A_471, %get3A_472] {strides = array<i32>} : memref<4x128xf32, #tpu.memory_space<vmem>>, vector<1x16xf32>,
    %get3A_474 = vector.shape_cast %get3A_473 : vector<1x16xf32> to vector<16xf32>
    %get3A_475 = arith.constant 2 : i32
    %get3A_476 = arith.index_cast %get3A_475 : i32 to index
    %get3A_477 = arith.constant 64 : index
    %get3A_478 = tpu.vector_load %arg10[%get3A_476, %get3A_477] {strides = array<i32>} : memref<4x128xf32, #tpu.memory_space<vmem>>, vector<1x16xf32>,
    %get3A_479 = vector.shape_cast %get3A_478 : vector<1x16xf32> to vector<16xf32>
    %sub3A_480 = arith.subf %get3A_474, %get3A_479 : vector<16xf32>
    %swap3A_481 = arith.constant 2 : i32
    %swap3A_482 = arith.index_cast %swap3A_481 : i32 to index
    %swap3A_483 = arith.constant 64 : index
    %swap3A_484 = tpu.vector_load %arg12[%swap3A_482, %swap3A_483] {strides = array<i32>} : memref<4x128xf32, #tpu.memory_space<vmem>>, vector<1x16xf32>,
    %swap3A_485 = vector.shape_cast %swap3A_484 : vector<1x16xf32> to vector<16xf32>
    %swap3A_486 = vector.shape_cast %sub3A_480 : vector<16xf32> to vector<1x16xf32>
    tpu.vector_store %arg12[%swap3A_482, %swap3A_483], %swap3A_486 {strides = array<i32>} : memref<4x128xf32, #tpu.memory_space<vmem>>, vector<1x16xf32>,
    %get3A_487 = arith.constant 2 : i32
    %get3A_488 = arith.index_cast %get3A_487 : i32 to index
    %get3A_489 = arith.constant 80 : index
    %get3A_490 = tpu.vector_load %arg11[%get3A_488, %get3A_489] {strides = array<i32>} : memref<4x128xf32, #tpu.memory_space<vmem>>, vector<1x16xf32>,
    %get3A_491 = vector.shape_cast %get3A_490 : vector<1x16xf32> to vector<16xf32>
    %get3A_492 = arith.constant 2 : i32
    %get3A_493 = arith.index_cast %get3A_492 : i32 to index
    %get3A_494 = arith.constant 80 : index
    %get3A_495 = tpu.vector_load %arg10[%get3A_493, %get3A_494] {strides = array<i32>} : memref<4x128xf32, #tpu.memory_space<vmem>>, vector<1x16xf32>,
    %get3A_496 = vector.shape_cast %get3A_495 : vector<1x16xf32> to vector<16xf32>
    %sub3A_497 = arith.subf %get3A_491, %get3A_496 : vector<16xf32>
    %swap3A_498 = arith.constant 2 : i32
    %swap3A_499 = arith.index_cast %swap3A_498 : i32 to index
    %swap3A_500 = arith.constant 80 : index
    %swap3A_501 = tpu.vector_load %arg12[%swap3A_499, %swap3A_500] {strides = array<i32>} : memref<4x128xf32, #tpu.memory_space<vmem>>, vector<1x16xf32>,
    %swap3A_502 = vector.shape_cast %swap3A_501 : vector<1x16xf32> to vector<16xf32>
    %swap3A_503 = vector.shape_cast %sub3A_497 : vector<16xf32> to vector<1x16xf32>
    tpu.vector_store %arg12[%swap3A_499, %swap3A_500], %swap3A_503 {strides = array<i32>} : memref<4x128xf32, #tpu.memory_space<vmem>>, vector<1x16xf32>,
    %get3A_504 = arith.constant 2 : i32
    %get3A_505 = arith.index_cast %get3A_504 : i32 to index
    %get3A_506 = arith.constant 96 : index
    %get3A_507 = tpu.vector_load %arg11[%get3A_505, %get3A_506] {strides = array<i32>} : memref<4x128xf32, #tpu.memory_space<vmem>>, vector<1x16xf32>,
    %get3A_508 = vector.shape_cast %get3A_507 : vector<1x16xf32> to vector<16xf32>
    %get3A_509 = arith.constant 2 : i32
    %get3A_510 = arith.index_cast %get3A_509 : i32 to index
    %get3A_511 = arith.constant 96 : index
    %get3A_512 = tpu.vector_load %arg10[%get3A_510, %get3A_511] {strides = array<i32>} : memref<4x128xf32, #tpu.memory_space<vmem>>, vector<1x16xf32>,
    %get3A_513 = vector.shape_cast %get3A_512 : vector<1x16xf32> to vector<16xf32>
    %sub3A_514 = arith.subf %get3A_508, %get3A_513 : vector<16xf32>
    %swap3A_515 = arith.constant 2 : i32
    %swap3A_516 = arith.index_cast %swap3A_515 : i32 to index
    %swap3A_517 = arith.constant 96 : index
    %swap3A_518 = tpu.vector_load %arg12[%swap3A_516, %swap3A_517] {strides = array<i32>} : memref<4x128xf32, #tpu.memory_space<vmem>>, vector<1x16xf32>,
    %swap3A_519 = vector.shape_cast %swap3A_518 : vector<1x16xf32> to vector<16xf32>
    %swap3A_520 = vector.shape_cast %sub3A_514 : vector<16xf32> to vector<1x16xf32>
    tpu.vector_store %arg12[%swap3A_516, %swap3A_517], %swap3A_520 {strides = array<i32>} : memref<4x128xf32, #tpu.memory_space<vmem>>, vector<1x16xf32>,
    %get3A_521 = arith.constant 2 : i32
    %get3A_522 = arith.index_cast %get3A_521 : i32 to index
    %get3A_523 = arith.constant 112 : index
    %get3A_524 = tpu.vector_load %arg11[%get3A_522, %get3A_523] {strides = array<i32>} : memref<4x128xf32, #tpu.memory_space<vmem>>, vector<1x16xf32>,
    %get3A_525 = vector.shape_cast %get3A_524 : vector<1x16xf32> to vector<16xf32>
    %get3A_526 = arith.constant 2 : i32
    %get3A_527 = arith.index_cast %get3A_526 : i32 to index
    %get3A_528 = arith.constant 112 : index
    %get3A_529 = tpu.vector_load %arg10[%get3A_527, %get3A_528] {strides = array<i32>} : memref<4x128xf32, #tpu.memory_space<vmem>>, vector<1x16xf32>,
    %get3A_530 = vector.shape_cast %get3A_529 : vector<1x16xf32> to vector<16xf32>
    %sub3A_531 = arith.subf %get3A_525, %get3A_530 : vector<16xf32>
    %swap3A_532 = arith.constant 2 : i32
    %swap3A_533 = arith.index_cast %swap3A_532 : i32 to index
    %swap3A_534 = arith.constant 112 : index
    %swap3A_535 = tpu.vector_load %arg12[%swap3A_533, %swap3A_534] {strides = array<i32>} : memref<4x128xf32, #tpu.memory_space<vmem>>, vector<1x16xf32>,
    %swap3A_536 = vector.shape_cast %swap3A_535 : vector<1x16xf32> to vector<16xf32>
    %swap3A_537 = vector.shape_cast %sub3A_531 : vector<16xf32> to vector<1x16xf32>
    tpu.vector_store %arg12[%swap3A_533, %swap3A_534], %swap3A_537 {strides = array<i32>} : memref<4x128xf32, #tpu.memory_space<vmem>>, vector<1x16xf32>,
    %get3A_538 = arith.constant 3 : i32
    %get3A_539 = arith.index_cast %get3A_538 : i32 to index
    %get3A_540 = arith.constant 0 : index
    %get3A_541 = tpu.vector_load %arg11[%get3A_539, %get3A_540] {strides = array<i32>} : memref<4x128xf32, #tpu.memory_space<vmem>>, vector<1x16xf32>,
    %get3A_542 = vector.shape_cast %get3A_541 : vector<1x16xf32> to vector<16xf32>
    %get3A_543 = arith.constant 3 : i32
    %get3A_544 = arith.index_cast %get3A_543 : i32 to index
    %get3A_545 = arith.constant 0 : index
    %get3A_546 = tpu.vector_load %arg10[%get3A_544, %get3A_545] {strides = array<i32>} : memref<4x128xf32, #tpu.memory_space<vmem>>, vector<1x16xf32>,
    %get3A_547 = vector.shape_cast %get3A_546 : vector<1x16xf32> to vector<16xf32>
    %sub3A_548 = arith.subf %get3A_542, %get3A_547 : vector<16xf32>
    %swap3A_549 = arith.constant 3 : i32
    %swap3A_550 = arith.index_cast %swap3A_549 : i32 to index
    %swap3A_551 = arith.constant 0 : index
    %swap3A_552 = tpu.vector_load %arg12[%swap3A_550, %swap3A_551] {strides = array<i32>} : memref<4x128xf32, #tpu.memory_space<vmem>>, vector<1x16xf32>,
    %swap3A_553 = vector.shape_cast %swap3A_552 : vector<1x16xf32> to vector<16xf32>
    %swap3A_554 = vector.shape_cast %sub3A_548 : vector<16xf32> to vector<1x16xf32>
    tpu.vector_store %arg12[%swap3A_550, %swap3A_551], %swap3A_554 {strides = array<i32>} : memref<4x128xf32, #tpu.memory_space<vmem>>, vector<1x16xf32>,
    %get3A_555 = arith.constant 3 : i32
    %get3A_556 = arith.index_cast %get3A_555 : i32 to index
    %get3A_557 = arith.constant 16 : index
    %get3A_558 = tpu.vector_load %arg11[%get3A_556, %get3A_557] {strides = array<i32>} : memref<4x128xf32, #tpu.memory_space<vmem>>, vector<1x16xf32>,
    %get3A_559 = vector.shape_cast %get3A_558 : vector<1x16xf32> to vector<16xf32>
    %get3A_560 = arith.constant 3 : i32
    %get3A_561 = arith.index_cast %get3A_560 : i32 to index
    %get3A_562 = arith.constant 16 : index
    %get3A_563 = tpu.vector_load %arg10[%get3A_561, %get3A_562] {strides = array<i32>} : memref<4x128xf32, #tpu.memory_space<vmem>>, vector<1x16xf32>,
    %get3A_564 = vector.shape_cast %get3A_563 : vector<1x16xf32> to vector<16xf32>
    %sub3A_565 = arith.subf %get3A_559, %get3A_564 : vector<16xf32>
    %swap3A_566 = arith.constant 3 : i32
    %swap3A_567 = arith.index_cast %swap3A_566 : i32 to index
    %swap3A_568 = arith.constant 16 : index
    %swap3A_569 = tpu.vector_load %arg12[%swap3A_567, %swap3A_568] {strides = array<i32>} : memref<4x128xf32, #tpu.memory_space<vmem>>, vector<1x16xf32>,
    %swap3A_570 = vector.shape_cast %swap3A_569 : vector<1x16xf32> to vector<16xf32>
    %swap3A_571 = vector.shape_cast %sub3A_565 : vector<16xf32> to vector<1x16xf32>
    tpu.vector_store %arg12[%swap3A_567, %swap3A_568], %swap3A_571 {strides = array<i32>} : memref<4x128xf32, #tpu.memory_space<vmem>>, vector<1x16xf32>,
    %get3A_572 = arith.constant 3 : i32
    %get3A_573 = arith.index_cast %get3A_572 : i32 to index
    %get3A_574 = arith.constant 32 : index
    %get3A_575 = tpu.vector_load %arg11[%get3A_573, %get3A_574] {strides = array<i32>} : memref<4x128xf32, #tpu.memory_space<vmem>>, vector<1x16xf32>,
    %get3A_576 = vector.shape_cast %get3A_575 : vector<1x16xf32> to vector<16xf32>
    %get3A_577 = arith.constant 3 : i32
    %get3A_578 = arith.index_cast %get3A_577 : i32 to index
    %get3A_579 = arith.constant 32 : index
    %get3A_580 = tpu.vector_load %arg10[%get3A_578, %get3A_579] {strides = array<i32>} : memref<4x128xf32, #tpu.memory_space<vmem>>, vector<1x16xf32>,
    %get3A_581 = vector.shape_cast %get3A_580 : vector<1x16xf32> to vector<16xf32>
    %sub3A_582 = arith.subf %get3A_576, %get3A_581 : vector<16xf32>
    %swap3A_583 = arith.constant 3 : i32
    %swap3A_584 = arith.index_cast %swap3A_583 : i32 to index
    %swap3A_585 = arith.constant 32 : index
    %swap3A_586 = tpu.vector_load %arg12[%swap3A_584, %swap3A_585] {strides = array<i32>} : memref<4x128xf32, #tpu.memory_space<vmem>>, vector<1x16xf32>,
    %swap3A_587 = vector.shape_cast %swap3A_586 : vector<1x16xf32> to vector<16xf32>
    %swap3A_588 = vector.shape_cast %sub3A_582 : vector<16xf32> to vector<1x16xf32>
    tpu.vector_store %arg12[%swap3A_584, %swap3A_585], %swap3A_588 {strides = array<i32>} : memref<4x128xf32, #tpu.memory_space<vmem>>, vector<1x16xf32>,
    %get3A_589 = arith.constant 3 : i32
    %get3A_590 = arith.index_cast %get3A_589 : i32 to index
    %get3A_591 = arith.constant 48 : index
    %get3A_592 = tpu.vector_load %arg11[%get3A_590, %get3A_591] {strides = array<i32>} : memref<4x128xf32, #tpu.memory_space<vmem>>, vector<1x16xf32>,
    %get3A_593 = vector.shape_cast %get3A_592 : vector<1x16xf32> to vector<16xf32>
    %get3A_594 = arith.constant 3 : i32
    %get3A_595 = arith.index_cast %get3A_594 : i32 to index
    %get3A_596 = arith.constant 48 : index
    %get3A_597 = tpu.vector_load %arg10[%get3A_595, %get3A_596] {strides = array<i32>} : memref<4x128xf32, #tpu.memory_space<vmem>>, vector<1x16xf32>,
    %get3A_598 = vector.shape_cast %get3A_597 : vector<1x16xf32> to vector<16xf32>
    %sub3A_599 = arith.subf %get3A_593, %get3A_598 : vector<16xf32>
    %swap3A_600 = arith.constant 3 : i32
    %swap3A_601 = arith.index_cast %swap3A_600 : i32 to index
    %swap3A_602 = arith.constant 48 : index
    %swap3A_603 = tpu.vector_load %arg12[%swap3A_601, %swap3A_602] {strides = array<i32>} : memref<4x128xf32, #tpu.memory_space<vmem>>, vector<1x16xf32>,
    %swap3A_604 = vector.shape_cast %swap3A_603 : vector<1x16xf32> to vector<16xf32>
    %swap3A_605 = vector.shape_cast %sub3A_599 : vector<16xf32> to vector<1x16xf32>
    tpu.vector_store %arg12[%swap3A_601, %swap3A_602], %swap3A_605 {strides = array<i32>} : memref<4x128xf32, #tpu.memory_space<vmem>>, vector<1x16xf32>,
    %get3A_606 = arith.constant 3 : i32
    %get3A_607 = arith.index_cast %get3A_606 : i32 to index
    %get3A_608 = arith.constant 64 : index
    %get3A_609 = tpu.vector_load %arg11[%get3A_607, %get3A_608] {strides = array<i32>} : memref<4x128xf32, #tpu.memory_space<vmem>>, vector<1x16xf32>,
    %get3A_610 = vector.shape_cast %get3A_609 : vector<1x16xf32> to vector<16xf32>
    %get3A_611 = arith.constant 3 : i32
    %get3A_612 = arith.index_cast %get3A_611 : i32 to index
    %get3A_613 = arith.constant 64 : index
    %get3A_614 = tpu.vector_load %arg10[%get3A_612, %get3A_613] {strides = array<i32>} : memref<4x128xf32, #tpu.memory_space<vmem>>, vector<1x16xf32>,
    %get3A_615 = vector.shape_cast %get3A_614 : vector<1x16xf32> to vector<16xf32>
    %sub3A_616 = arith.subf %get3A_610, %get3A_615 : vector<16xf32>
    %swap3A_617 = arith.constant 3 : i32
    %swap3A_618 = arith.index_cast %swap3A_617 : i32 to index
    %swap3A_619 = arith.constant 64 : index
    %swap3A_620 = tpu.vector_load %arg12[%swap3A_618, %swap3A_619] {strides = array<i32>} : memref<4x128xf32, #tpu.memory_space<vmem>>, vector<1x16xf32>,
    %swap3A_621 = vector.shape_cast %swap3A_620 : vector<1x16xf32> to vector<16xf32>
    %swap3A_622 = vector.shape_cast %sub3A_616 : vector<16xf32> to vector<1x16xf32>
    tpu.vector_store %arg12[%swap3A_618, %swap3A_619], %swap3A_622 {strides = array<i32>} : memref<4x128xf32, #tpu.memory_space<vmem>>, vector<1x16xf32>,
    %get3A_623 = arith.constant 3 : i32
    %get3A_624 = arith.index_cast %get3A_623 : i32 to index
    %get3A_625 = arith.constant 80 : index
    %get3A_626 = tpu.vector_load %arg11[%get3A_624, %get3A_625] {strides = array<i32>} : memref<4x128xf32, #tpu.memory_space<vmem>>, vector<1x16xf32>,
    %get3A_627 = vector.shape_cast %get3A_626 : vector<1x16xf32> to vector<16xf32>
    %get3A_628 = arith.constant 3 : i32
    %get3A_629 = arith.index_cast %get3A_628 : i32 to index
    %get3A_630 = arith.constant 80 : index
    %get3A_631 = tpu.vector_load %arg10[%get3A_629, %get3A_630] {strides = array<i32>} : memref<4x128xf32, #tpu.memory_space<vmem>>, vector<1x16xf32>,
    %get3A_632 = vector.shape_cast %get3A_631 : vector<1x16xf32> to vector<16xf32>
    %sub3A_633 = arith.subf %get3A_627, %get3A_632 : vector<16xf32>
    %swap3A_634 = arith.constant 3 : i32
    %swap3A_635 = arith.index_cast %swap3A_634 : i32 to index
    %swap3A_636 = arith.constant 80 : index
    %swap3A_637 = tpu.vector_load %arg12[%swap3A_635, %swap3A_636] {strides = array<i32>} : memref<4x128xf32, #tpu.memory_space<vmem>>, vector<1x16xf32>,
    %swap3A_638 = vector.shape_cast %swap3A_637 : vector<1x16xf32> to vector<16xf32>
    %swap3A_639 = vector.shape_cast %sub3A_633 : vector<16xf32> to vector<1x16xf32>
    tpu.vector_store %arg12[%swap3A_635, %swap3A_636], %swap3A_639 {strides = array<i32>} : memref<4x128xf32, #tpu.memory_space<vmem>>, vector<1x16xf32>,
    %get3A_640 = arith.constant 3 : i32
    %get3A_641 = arith.index_cast %get3A_640 : i32 to index
    %get3A_642 = arith.constant 96 : index
    %get3A_643 = tpu.vector_load %arg11[%get3A_641, %get3A_642] {strides = array<i32>} : memref<4x128xf32, #tpu.memory_space<vmem>>, vector<1x16xf32>,
    %get3A_644 = vector.shape_cast %get3A_643 : vector<1x16xf32> to vector<16xf32>
    %get3A_645 = arith.constant 3 : i32
    %get3A_646 = arith.index_cast %get3A_645 : i32 to index
    %get3A_647 = arith.constant 96 : index
    %get3A_648 = tpu.vector_load %arg10[%get3A_646, %get3A_647] {strides = array<i32>} : memref<4x128xf32, #tpu.memory_space<vmem>>, vector<1x16xf32>,
    %get3A_649 = vector.shape_cast %get3A_648 : vector<1x16xf32> to vector<16xf32>
    %sub3A_650 = arith.subf %get3A_644, %get3A_649 : vector<16xf32>
    %swap3A_651 = arith.constant 3 : i32
    %swap3A_652 = arith.index_cast %swap3A_651 : i32 to index
    %swap3A_653 = arith.constant 96 : index
    %swap3A_654 = tpu.vector_load %arg12[%swap3A_652, %swap3A_653] {strides = array<i32>} : memref<4x128xf32, #tpu.memory_space<vmem>>, vector<1x16xf32>,
    %swap3A_655 = vector.shape_cast %swap3A_654 : vector<1x16xf32> to vector<16xf32>
    %swap3A_656 = vector.shape_cast %sub3A_650 : vector<16xf32> to vector<1x16xf32>
    tpu.vector_store %arg12[%swap3A_652, %swap3A_653], %swap3A_656 {strides = array<i32>} : memref<4x128xf32, #tpu.memory_space<vmem>>, vector<1x16xf32>,
    %get3A_657 = arith.constant 3 : i32
    %get3A_658 = arith.index_cast %get3A_657 : i32 to index
    %get3A_659 = arith.constant 112 : index
    %get3A_660 = tpu.vector_load %arg11[%get3A_658, %get3A_659] {strides = array<i32>} : memref<4x128xf32, #tpu.memory_space<vmem>>, vector<1x16xf32>,
    %get3A_661 = vector.shape_cast %get3A_660 : vector<1x16xf32> to vector<16xf32>
    %get3A_662 = arith.constant 3 : i32
    %get3A_663 = arith.index_cast %get3A_662 : i32 to index
    %get3A_664 = arith.constant 112 : index
    %get3A_665 = tpu.vector_load %arg10[%get3A_663, %get3A_664] {strides = array<i32>} : memref<4x128xf32, #tpu.memory_space<vmem>>, vector<1x16xf32>,
    %get3A_666 = vector.shape_cast %get3A_665 : vector<1x16xf32> to vector<16xf32>
    %sub3A_667 = arith.subf %get3A_661, %get3A_666 : vector<16xf32>
    %swap3A_668 = arith.constant 3 : i32
    %swap3A_669 = arith.index_cast %swap3A_668 : i32 to index
    %swap3A_670 = arith.constant 112 : index
    %swap3A_671 = tpu.vector_load %arg12[%swap3A_669, %swap3A_670] {strides = array<i32>} : memref<4x128xf32, #tpu.memory_space<vmem>>, vector<1x16xf32>,
    %swap3A_672 = vector.shape_cast %swap3A_671 : vector<1x16xf32> to vector<16xf32>
    %swap3A_673 = vector.shape_cast %sub3A_667 : vector<16xf32> to vector<1x16xf32>
    tpu.vector_store %arg12[%swap3A_669, %swap3A_670], %swap3A_673 {strides = array<i32>} : memref<4x128xf32, #tpu.memory_space<vmem>>, vector<1x16xf32>,
    %mul3A_674 = arith.constant 4 : i32
    %mul3A_675 = arith.muli %add3A, %mul3A_674 : i32
    %dma_start3A_676 = arith.constant 0 : i32
    %dma_start3A_677 = tpu.memref_slice %arg7[%mul3A_675, %dma_start3A_676] : memref<128x128xf32, #tpu.memory_space<hbm>> -> memref<4x128xf32, #tpu.memory_space<hbm>>
    %dma_start3A_678 = arith.constant 0 : i32
    %dma_start3A_679 = tpu.memref_slice %arg7[%mul3A_675, %dma_start3A_678] : memref<128x128xf32, #tpu.memory_space<hbm>> -> memref<4x128xf32, #tpu.memory_space<hbm>>
    tpu.enqueue_dma source(%arg12 : memref<4x128xf32, #tpu.memory_space<vmem>>) target(%dma_start3A_679 : memref<4x128xf32, #tpu.memory_space<hbm>>) target_semaphore(%arg14 : memref<!tpu.dma_semaphore, #tpu.memory_space<semaphore_mem>>)
    %dma_wait3A_680 = arith.constant 0 : i32
    %dma_wait3A_681 = arith.constant 0 : i32
    %dma_wait3A_682 = arith.constant 0 : i32
    %dma_wait3A_683 = tpu.memref_slice %arg9[%dma_wait3A_681, %dma_wait3A_682] : memref<512x128xf32, #tpu.memory_space<vmem>> -> memref<128x128xf32, #tpu.memory_space<vmem>>
    %dma_wait3A_684 = arith.constant 0 : i32
    %dma_wait3A_685 = tpu.memref_slice %arg8[%dma_wait3A_680, %dma_wait3A_684] : memref<4x128xi32, #tpu.memory_space<vmem>> -> memref<1x128xi32, #tpu.memory_space<vmem>>
    %dma_wait3A_686 = tpu.memref_squeeze %dma_wait3A_685 : memref<1x128xi32, #tpu.memory_space<vmem>> -> memref<128xi32, #tpu.memory_space<vmem>>
    %dma_wait3A_687 = arith.constant 0 : i32
    %dma_wait3A_688 = arith.constant 0 : i32
    %dma_wait3A_689 = tpu.memref_slice %arg3[%dma_wait3A_687, %dma_wait3A_688] : memref<1000000x128xf32, #tpu.memory_space<hbm>> -> memref<1000000x128xf32, #tpu.memory_space<hbm>>
    tpu.wait_indirect_dma semaphore(%arg13 : memref<!tpu.dma_semaphore, #tpu.memory_space<semaphore_mem>>) src(%dma_wait3A_689 : memref<1000000x128xf32, #tpu.memory_space<hbm>>) dst(%dma_wait3A_683 : memref<128x128xf32, #tpu.memory_space<vmem>>)
    %add3A_690 = arith.constant 0 : i32
    %add3A_691 = arith.addi %mul3A_2, %add3A_690 : i32
    %dma_start3A_692 = arith.constant 0 : i32
    %dma_start3A_693 = arith.constant 0 : i32
    %dma_start3A_694 = tpu.memref_slice %arg9[%dma_start3A_692, %dma_start3A_693] : memref<512x128xf32, #tpu.memory_space<vmem>> -> memref<128x128xf32, #tpu.memory_space<vmem>>
    %dma_start3A_695 = arith.constant 0 : i32
    %dma_start3A_696 = tpu.memref_slice %arg6[%add3A_691, %dma_start3A_695] : memref<16384x128xf32, #tpu.memory_space<hbm>> -> memref<128x128xf32, #tpu.memory_space<hbm>>
    %dma_start3A_697 = arith.constant 0 : i32
    %dma_start3A_698 = tpu.memref_slice %arg6[%add3A_691, %dma_start3A_697] : memref<16384x128xf32, #tpu.memory_space<hbm>> -> memref<128x128xf32, #tpu.memory_space<hbm>>
    %dma_start3A_699 = arith.constant 0 : i32
    %dma_start3A_700 = arith.constant 0 : i32
    %dma_start3A_701 = tpu.memref_slice %arg9[%dma_start3A_699, %dma_start3A_700] : memref<512x128xf32, #tpu.memory_space<vmem>> -> memref<128x128xf32, #tpu.memory_space<vmem>>
    tpu.enqueue_dma source(%dma_start3A_701 : memref<128x128xf32, #tpu.memory_space<vmem>>) target(%dma_start3A_698 : memref<128x128xf32, #tpu.memory_space<hbm>>) target_semaphore(%arg15 : memref<!tpu.dma_semaphore, #tpu.memory_space<semaphore_mem>>)
    %dma_wait3A_702 = arith.constant 1 : i32
    %dma_wait3A_703 = arith.constant 128 : i32
    %dma_wait3A_704 = arith.constant 0 : i32
    %dma_wait3A_705 = tpu.memref_slice %arg9[%dma_wait3A_703, %dma_wait3A_704] : memref<512x128xf32, #tpu.memory_space<vmem>> -> memref<128x128xf32, #tpu.memory_space<vmem>>
    %dma_wait3A_706 = arith.constant 0 : i32
    %dma_wait3A_707 = tpu.memref_slice %arg8[%dma_wait3A_702, %dma_wait3A_706] : memref<4x128xi32, #tpu.memory_space<vmem>> -> memref<1x128xi32, #tpu.memory_space<vmem>>
    %dma_wait3A_708 = tpu.memref_squeeze %dma_wait3A_707 : memref<1x128xi32, #tpu.memory_space<vmem>> -> memref<128xi32, #tpu.memory_space<vmem>>
    %dma_wait3A_709 = arith.constant 0 : i32
    %dma_wait3A_710 = arith.constant 0 : i32
    %dma_wait3A_711 = tpu.memref_slice %arg3[%dma_wait3A_709, %dma_wait3A_710] : memref<1000000x128xf32, #tpu.memory_space<hbm>> -> memref<1000000x128xf32, #tpu.memory_space<hbm>>
    tpu.wait_indirect_dma semaphore(%arg13 : memref<!tpu.dma_semaphore, #tpu.memory_space<semaphore_mem>>) src(%dma_wait3A_711 : memref<1000000x128xf32, #tpu.memory_space<hbm>>) dst(%dma_wait3A_705 : memref<128x128xf32, #tpu.memory_space<vmem>>)
    %add3A_712 = arith.constant 128 : i32
    %add3A_713 = arith.addi %mul3A_2, %add3A_712 : i32
    %dma_start3A_714 = arith.constant 128 : i32
    %dma_start3A_715 = arith.constant 0 : i32
    %dma_start3A_716 = tpu.memref_slice %arg9[%dma_start3A_714, %dma_start3A_715] : memref<512x128xf32, #tpu.memory_space<vmem>> -> memref<128x128xf32, #tpu.memory_space<vmem>>
    %dma_start3A_717 = arith.constant 0 : i32
    %dma_start3A_718 = tpu.memref_slice %arg6[%add3A_713, %dma_start3A_717] : memref<16384x128xf32, #tpu.memory_space<hbm>> -> memref<128x128xf32, #tpu.memory_space<hbm>>
    %dma_start3A_719 = arith.constant 0 : i32
    %dma_start3A_720 = tpu.memref_slice %arg6[%add3A_713, %dma_start3A_719] : memref<16384x128xf32, #tpu.memory_space<hbm>> -> memref<128x128xf32, #tpu.memory_space<hbm>>
    %dma_start3A_721 = arith.constant 128 : i32
    %dma_start3A_722 = arith.constant 0 : i32
    %dma_start3A_723 = tpu.memref_slice %arg9[%dma_start3A_721, %dma_start3A_722] : memref<512x128xf32, #tpu.memory_space<vmem>> -> memref<128x128xf32, #tpu.memory_space<vmem>>
    tpu.enqueue_dma source(%dma_start3A_723 : memref<128x128xf32, #tpu.memory_space<vmem>>) target(%dma_start3A_720 : memref<128x128xf32, #tpu.memory_space<hbm>>) target_semaphore(%arg15 : memref<!tpu.dma_semaphore, #tpu.memory_space<semaphore_mem>>)
    %dma_wait3A_724 = arith.constant 2 : i32
    %dma_wait3A_725 = arith.constant 256 : i32
    %dma_wait3A_726 = arith.constant 0 : i32
    %dma_wait3A_727 = tpu.memref_slice %arg9[%dma_wait3A_725, %dma_wait3A_726] : memref<512x128xf32, #tpu.memory_space<vmem>> -> memref<128x128xf32, #tpu.memory_space<vmem>>
    %dma_wait3A_728 = arith.constant 0 : i32
    %dma_wait3A_729 = tpu.memref_slice %arg8[%dma_wait3A_724, %dma_wait3A_728] : memref<4x128xi32, #tpu.memory_space<vmem>> -> memref<1x128xi32, #tpu.memory_space<vmem>>
    %dma_wait3A_730 = tpu.memref_squeeze %dma_wait3A_729 : memref<1x128xi32, #tpu.memory_space<vmem>> -> memref<128xi32, #tpu.memory_space<vmem>>
    %dma_wait3A_731 = arith.constant 0 : i32
    %dma_wait3A_732 = arith.constant 0 : i32
    %dma_wait3A_733 = tpu.memref_slice %arg3[%dma_wait3A_731, %dma_wait3A_732] : memref<1000000x128xf32, #tpu.memory_space<hbm>> -> memref<1000000x128xf32, #tpu.memory_space<hbm>>
    tpu.wait_indirect_dma semaphore(%arg13 : memref<!tpu.dma_semaphore, #tpu.memory_space<semaphore_mem>>) src(%dma_wait3A_733 : memref<1000000x128xf32, #tpu.memory_space<hbm>>) dst(%dma_wait3A_727 : memref<128x128xf32, #tpu.memory_space<vmem>>)
    %add3A_734 = arith.constant 256 : i32
    %add3A_735 = arith.addi %mul3A_2, %add3A_734 : i32
    %dma_start3A_736 = arith.constant 256 : i32
    %dma_start3A_737 = arith.constant 0 : i32
    %dma_start3A_738 = tpu.memref_slice %arg9[%dma_start3A_736, %dma_start3A_737] : memref<512x128xf32, #tpu.memory_space<vmem>> -> memref<128x128xf32, #tpu.memory_space<vmem>>
    %dma_start3A_739 = arith.constant 0 : i32
    %dma_start3A_740 = tpu.memref_slice %arg6[%add3A_735, %dma_start3A_739] : memref<16384x128xf32, #tpu.memory_space<hbm>> -> memref<128x128xf32, #tpu.memory_space<hbm>>
    %dma_start3A_741 = arith.constant 0 : i32
    %dma_start3A_742 = tpu.memref_slice %arg6[%add3A_735, %dma_start3A_741] : memref<16384x128xf32, #tpu.memory_space<hbm>> -> memref<128x128xf32, #tpu.memory_space<hbm>>
    %dma_start3A_743 = arith.constant 256 : i32
    %dma_start3A_744 = arith.constant 0 : i32
    %dma_start3A_745 = tpu.memref_slice %arg9[%dma_start3A_743, %dma_start3A_744] : memref<512x128xf32, #tpu.memory_space<vmem>> -> memref<128x128xf32, #tpu.memory_space<vmem>>
    tpu.enqueue_dma source(%dma_start3A_745 : memref<128x128xf32, #tpu.memory_space<vmem>>) target(%dma_start3A_742 : memref<128x128xf32, #tpu.memory_space<hbm>>) target_semaphore(%arg15 : memref<!tpu.dma_semaphore, #tpu.memory_space<semaphore_mem>>)
    %dma_wait3A_746 = arith.constant 3 : i32
    %dma_wait3A_747 = arith.constant 384 : i32
    %dma_wait3A_748 = arith.constant 0 : i32
    %dma_wait3A_749 = tpu.memref_slice %arg9[%dma_wait3A_747, %dma_wait3A_748] : memref<512x128xf32, #tpu.memory_space<vmem>> -> memref<128x128xf32, #tpu.memory_space<vmem>>
    %dma_wait3A_750 = arith.constant 0 : i32
    %dma_wait3A_751 = tpu.memref_slice %arg8[%dma_wait3A_746, %dma_wait3A_750] : memref<4x128xi32, #tpu.memory_space<vmem>> -> memref<1x128xi32, #tpu.memory_space<vmem>>
    %dma_wait3A_752 = tpu.memref_squeeze %dma_wait3A_751 : memref<1x128xi32, #tpu.memory_space<vmem>> -> memref<128xi32, #tpu.memory_space<vmem>>
    %dma_wait3A_753 = arith.constant 0 : i32
    %dma_wait3A_754 = arith.constant 0 : i32
    %dma_wait3A_755 = tpu.memref_slice %arg3[%dma_wait3A_753, %dma_wait3A_754] : memref<1000000x128xf32, #tpu.memory_space<hbm>> -> memref<1000000x128xf32, #tpu.memory_space<hbm>>
    tpu.wait_indirect_dma semaphore(%arg13 : memref<!tpu.dma_semaphore, #tpu.memory_space<semaphore_mem>>) src(%dma_wait3A_755 : memref<1000000x128xf32, #tpu.memory_space<hbm>>) dst(%dma_wait3A_749 : memref<128x128xf32, #tpu.memory_space<vmem>>)
    %add3A_756 = arith.constant 384 : i32
    %add3A_757 = arith.addi %mul3A_2, %add3A_756 : i32
    %dma_start3A_758 = arith.constant 384 : i32
    %dma_start3A_759 = arith.constant 0 : i32
    %dma_start3A_760 = tpu.memref_slice %arg9[%dma_start3A_758, %dma_start3A_759] : memref<512x128xf32, #tpu.memory_space<vmem>> -> memref<128x128xf32, #tpu.memory_space<vmem>>
    %dma_start3A_761 = arith.constant 0 : i32
    %dma_start3A_762 = tpu.memref_slice %arg6[%add3A_757, %dma_start3A_761] : memref<16384x128xf32, #tpu.memory_space<hbm>> -> memref<128x128xf32, #tpu.memory_space<hbm>>
    %dma_start3A_763 = arith.constant 0 : i32
    %dma_start3A_764 = tpu.memref_slice %arg6[%add3A_757, %dma_start3A_763] : memref<16384x128xf32, #tpu.memory_space<hbm>> -> memref<128x128xf32, #tpu.memory_space<hbm>>
    %dma_start3A_765 = arith.constant 384 : i32
    %dma_start3A_766 = arith.constant 0 : i32
    %dma_start3A_767 = tpu.memref_slice %arg9[%dma_start3A_765, %dma_start3A_766] : memref<512x128xf32, #tpu.memory_space<vmem>> -> memref<128x128xf32, #tpu.memory_space<vmem>>
    tpu.enqueue_dma source(%dma_start3A_767 : memref<128x128xf32, #tpu.memory_space<vmem>>) target(%dma_start3A_764 : memref<128x128xf32, #tpu.memory_space<hbm>>) target_semaphore(%arg15 : memref<!tpu.dma_semaphore, #tpu.memory_space<semaphore_mem>>)
    %dma_wait3A_768 = arith.constant 0 : i32
    %dma_wait3A_769 = tpu.memref_slice %arg7[%mul3A_675, %dma_wait3A_768] : memref<128x128xf32, #tpu.memory_space<hbm>> -> memref<4x128xf32, #tpu.memory_space<hbm>>
    %dma_wait3A_770 = arith.constant 0 : i32
    %dma_wait3A_771 = tpu.memref_slice %arg7[%mul3A_675, %dma_wait3A_770] : memref<128x128xf32, #tpu.memory_space<hbm>> -> memref<4x128xf32, #tpu.memory_space<hbm>>
    tpu.wait_dma2 semaphore(%arg14 : memref<!tpu.dma_semaphore, #tpu.memory_space<semaphore_mem>>) src(%arg12 : memref<4x128xf32, #tpu.memory_space<vmem>>) dst(%dma_wait3A_771 : memref<4x128xf32, #tpu.memory_space<hbm>>)
    %dma_wait3A_772 = arith.constant 0 : i32
    %dma_wait3A_773 = arith.constant 0 : i32
    %dma_wait3A_774 = tpu.memref_slice %arg9[%dma_wait3A_772, %dma_wait3A_773] : memref<512x128xf32, #tpu.memory_space<vmem>> -> memref<128x128xf32, #tpu.memory_space<vmem>>
    %dma_wait3A_775 = arith.constant 0 : i32
    %dma_wait3A_776 = tpu.memref_slice %arg6[%add3A_691, %dma_wait3A_775] : memref<16384x128xf32, #tpu.memory_space<hbm>> -> memref<128x128xf32, #tpu.memory_space<hbm>>
    %dma_wait3A_777 = arith.constant 0 : i32
    %dma_wait3A_778 = tpu.memref_slice %arg6[%add3A_691, %dma_wait3A_777] : memref<16384x128xf32, #tpu.memory_space<hbm>> -> memref<128x128xf32, #tpu.memory_space<hbm>>
    %dma_wait3A_779 = arith.constant 0 : i32
    %dma_wait3A_780 = arith.constant 0 : i32
    %dma_wait3A_781 = tpu.memref_slice %arg9[%dma_wait3A_779, %dma_wait3A_780] : memref<512x128xf32, #tpu.memory_space<vmem>> -> memref<128x128xf32, #tpu.memory_space<vmem>>
    tpu.wait_dma2 semaphore(%arg15 : memref<!tpu.dma_semaphore, #tpu.memory_space<semaphore_mem>>) src(%dma_wait3A_781 : memref<128x128xf32, #tpu.memory_space<vmem>>) dst(%dma_wait3A_778 : memref<128x128xf32, #tpu.memory_space<hbm>>)
    %dma_wait3A_782 = arith.constant 128 : i32
    %dma_wait3A_783 = arith.constant 0 : i32
    %dma_wait3A_784 = tpu.memref_slice %arg9[%dma_wait3A_782, %dma_wait3A_783] : memref<512x128xf32, #tpu.memory_space<vmem>> -> memref<128x128xf32, #tpu.memory_space<vmem>>
    %dma_wait3A_785 = arith.constant 0 : i32
    %dma_wait3A_786 = tpu.memref_slice %arg6[%add3A_713, %dma_wait3A_785] : memref<16384x128xf32, #tpu.memory_space<hbm>> -> memref<128x128xf32, #tpu.memory_space<hbm>>
    %dma_wait3A_787 = arith.constant 0 : i32
    %dma_wait3A_788 = tpu.memref_slice %arg6[%add3A_713, %dma_wait3A_787] : memref<16384x128xf32, #tpu.memory_space<hbm>> -> memref<128x128xf32, #tpu.memory_space<hbm>>
    %dma_wait3A_789 = arith.constant 128 : i32
    %dma_wait3A_790 = arith.constant 0 : i32
    %dma_wait3A_791 = tpu.memref_slice %arg9[%dma_wait3A_789, %dma_wait3A_790] : memref<512x128xf32, #tpu.memory_space<vmem>> -> memref<128x128xf32, #tpu.memory_space<vmem>>
    tpu.wait_dma2 semaphore(%arg15 : memref<!tpu.dma_semaphore, #tpu.memory_space<semaphore_mem>>) src(%dma_wait3A_791 : memref<128x128xf32, #tpu.memory_space<vmem>>) dst(%dma_wait3A_788 : memref<128x128xf32, #tpu.memory_space<hbm>>)
    %dma_wait3A_792 = arith.constant 256 : i32
    %dma_wait3A_793 = arith.constant 0 : i32
    %dma_wait3A_794 = tpu.memref_slice %arg9[%dma_wait3A_792, %dma_wait3A_793] : memref<512x128xf32, #tpu.memory_space<vmem>> -> memref<128x128xf32, #tpu.memory_space<vmem>>
    %dma_wait3A_795 = arith.constant 0 : i32
    %dma_wait3A_796 = tpu.memref_slice %arg6[%add3A_735, %dma_wait3A_795] : memref<16384x128xf32, #tpu.memory_space<hbm>> -> memref<128x128xf32, #tpu.memory_space<hbm>>
    %dma_wait3A_797 = arith.constant 0 : i32
    %dma_wait3A_798 = tpu.memref_slice %arg6[%add3A_735, %dma_wait3A_797] : memref<16384x128xf32, #tpu.memory_space<hbm>> -> memref<128x128xf32, #tpu.memory_space<hbm>>
    %dma_wait3A_799 = arith.constant 256 : i32
    %dma_wait3A_800 = arith.constant 0 : i32
    %dma_wait3A_801 = tpu.memref_slice %arg9[%dma_wait3A_799, %dma_wait3A_800] : memref<512x128xf32, #tpu.memory_space<vmem>> -> memref<128x128xf32, #tpu.memory_space<vmem>>
    tpu.wait_dma2 semaphore(%arg15 : memref<!tpu.dma_semaphore, #tpu.memory_space<semaphore_mem>>) src(%dma_wait3A_801 : memref<128x128xf32, #tpu.memory_space<vmem>>) dst(%dma_wait3A_798 : memref<128x128xf32, #tpu.memory_space<hbm>>)
    %dma_wait3A_802 = arith.constant 384 : i32
    %dma_wait3A_803 = arith.constant 0 : i32
    %dma_wait3A_804 = tpu.memref_slice %arg9[%dma_wait3A_802, %dma_wait3A_803] : memref<512x128xf32, #tpu.memory_space<vmem>> -> memref<128x128xf32, #tpu.memory_space<vmem>>
    %dma_wait3A_805 = arith.constant 0 : i32
    %dma_wait3A_806 = tpu.memref_slice %arg6[%add3A_757, %dma_wait3A_805] : memref<16384x128xf32, #tpu.memory_space<hbm>> -> memref<128x128xf32, #tpu.memory_space<hbm>>
    %dma_wait3A_807 = arith.constant 0 : i32
    %dma_wait3A_808 = tpu.memref_slice %arg6[%add3A_757, %dma_wait3A_807] : memref<16384x128xf32, #tpu.memory_space<hbm>> -> memref<128x128xf32, #tpu.memory_space<hbm>>
    %dma_wait3A_809 = arith.constant 384 : i32
    %dma_wait3A_810 = arith.constant 0 : i32
    %dma_wait3A_811 = tpu.memref_slice %arg9[%dma_wait3A_809, %dma_wait3A_810] : memref<512x128xf32, #tpu.memory_space<vmem>> -> memref<128x128xf32, #tpu.memory_space<vmem>>
    tpu.wait_dma2 semaphore(%arg15 : memref<!tpu.dma_semaphore, #tpu.memory_space<semaphore_mem>>) src(%dma_wait3A_811 : memref<128x128xf32, #tpu.memory_space<vmem>>) dst(%dma_wait3A_808 : memref<128x128xf32, #tpu.memory_space<hbm>>)
    return
  }
}

module attributes {stable_mosaic.version = 14 : i64} {
  func.func @body(%arg0: i32, %arg1: memref<8192x128xf32, #tpu.memory_space<vmem>>, %arg2: memref<128x128xf32, #tpu.memory_space<vmem>>, %arg3: memref<1x32xf32, #tpu.memory_space<vmem>>, %arg4: memref<1x32xf32, #tpu.memory_space<vmem>>, %arg5: memref<160x128xf32, #tpu.memory_space<vmem>>, %arg6: memref<1x128xf32, #tpu.memory_space<vmem>>, %arg7: memref<128x128xf32, #tpu.memory_space<vmem>>, %arg8: memref<8192x128xf32, #tpu.memory_space<vmem>>) attributes {dimension_semantics = [#tpu.dimension_semantics<arbitrary>], iteration_bounds = array<i64: 2>, scalar_prefetch = 0 : i64, scratch_operands = 0 : i64, tpu.core_type = #tpu.core_type<tc>, window_params = [{transform_indices = @transform_0, window_bounds = array<i64: 8192, 128>}, {pipeline_mode = #tpu.pipeline_mode<synchronous>, transform_indices = @transform_1, window_bounds = array<i64: 128, 128>}, {pipeline_mode = #tpu.pipeline_mode<synchronous>, transform_indices = @transform_2, window_bounds = array<i64: 1, 32>}, {pipeline_mode = #tpu.pipeline_mode<synchronous>, transform_indices = @transform_3, window_bounds = array<i64: 1, 32>}, {pipeline_mode = #tpu.pipeline_mode<synchronous>, transform_indices = @transform_4, window_bounds = array<i64: 160, 128>}, {pipeline_mode = #tpu.pipeline_mode<synchronous>, transform_indices = @transform_5, window_bounds = array<i64: 1, 128>}, {pipeline_mode = #tpu.pipeline_mode<synchronous>, transform_indices = @transform_6, window_bounds = array<i64: 128, 128>}, {transform_indices = @transform_7, window_bounds = array<i64: 8192, 128>}]} {
    %get3A = arith.constant 0 : index
    %get3A_0 = arith.constant 0 : index
    %get3A_1 = vector.load %arg7[%get3A, %get3A_0] : memref<128x128xf32, #tpu.memory_space<vmem>>, vector<128x128xf32>
    %mul3A = arith.constant 64 : i32
    %mul3A_2 = arith.muli %mul3A, %arg0 : i32
    %add3A = arith.constant 0 : i32
    %add3A_3 = arith.addi %mul3A_2, %add3A : i32
    %get3A_4 = arith.index_cast %add3A_3 : i32 to index
    %get3A_5 = arith.constant 0 : index
    %get3A_6 = vector.load %arg2[%get3A_4, %get3A_5] : memref<128x128xf32, #tpu.memory_space<vmem>>, vector<1x128xf32>
    %dot_general3A = arith.constant dense<0.000000e+00> : vector<128x1xf32>
    %dot_general3A_7 = tpu.matmul %get3A_1, %get3A_6, %dot_general3A {dimension_numbers = #tpu.dot_dimension_numbers<[1], [1], [0], [0], [0, 0, 1, 0], [], []>, transpose_lhs_hint = false} : vector<128x128xf32>, vector<1x128xf32>, vector<128x1xf32> -> vector<128x1xf32>
    %get3A_8 = arith.constant 0 : index
    %get3A_9 = arith.constant 0 : index
    %get3A_10 = vector.load %arg7[%get3A_8, %get3A_9] : memref<128x128xf32, #tpu.memory_space<vmem>>, vector<128x128xf32>
    %mul3A_11 = arith.constant 64 : i32
    %mul3A_12 = arith.muli %mul3A_11, %arg0 : i32
    %add3A_13 = arith.constant 1 : i32
    %add3A_14 = arith.addi %mul3A_12, %add3A_13 : i32
    %get3A_15 = arith.index_cast %add3A_14 : i32 to index
    %get3A_16 = arith.constant 0 : index
    %get3A_17 = vector.load %arg2[%get3A_15, %get3A_16] : memref<128x128xf32, #tpu.memory_space<vmem>>, vector<1x128xf32>
    %dot_general3A_18 = arith.constant dense<0.000000e+00> : vector<128x1xf32>
    %dot_general3A_19 = tpu.matmul %get3A_10, %get3A_17, %dot_general3A_18 {dimension_numbers = #tpu.dot_dimension_numbers<[1], [1], [0], [0], [0, 0, 1, 0], [], []>, transpose_lhs_hint = false} : vector<128x128xf32>, vector<1x128xf32>, vector<128x1xf32> -> vector<128x1xf32>
    %get3A_20 = arith.constant 0 : index
    %get3A_21 = arith.constant 0 : index
    %get3A_22 = vector.load %arg7[%get3A_20, %get3A_21] : memref<128x128xf32, #tpu.memory_space<vmem>>, vector<128x128xf32>
    %mul3A_23 = arith.constant 64 : i32
    %mul3A_24 = arith.muli %mul3A_23, %arg0 : i32
    %add3A_25 = arith.constant 2 : i32
    %add3A_26 = arith.addi %mul3A_24, %add3A_25 : i32
    %get3A_27 = arith.index_cast %add3A_26 : i32 to index
    %get3A_28 = arith.constant 0 : index
    %get3A_29 = vector.load %arg2[%get3A_27, %get3A_28] : memref<128x128xf32, #tpu.memory_space<vmem>>, vector<1x128xf32>
    %dot_general3A_30 = arith.constant dense<0.000000e+00> : vector<128x1xf32>
    %dot_general3A_31 = tpu.matmul %get3A_22, %get3A_29, %dot_general3A_30 {dimension_numbers = #tpu.dot_dimension_numbers<[1], [1], [0], [0], [0, 0, 1, 0], [], []>, transpose_lhs_hint = false} : vector<128x128xf32>, vector<1x128xf32>, vector<128x1xf32> -> vector<128x1xf32>
    %get3A_32 = arith.constant 0 : index
    %get3A_33 = arith.constant 0 : index
    %get3A_34 = vector.load %arg7[%get3A_32, %get3A_33] : memref<128x128xf32, #tpu.memory_space<vmem>>, vector<128x128xf32>
    %mul3A_35 = arith.constant 64 : i32
    %mul3A_36 = arith.muli %mul3A_35, %arg0 : i32
    %add3A_37 = arith.constant 3 : i32
    %add3A_38 = arith.addi %mul3A_36, %add3A_37 : i32
    %get3A_39 = arith.index_cast %add3A_38 : i32 to index
    %get3A_40 = arith.constant 0 : index
    %get3A_41 = vector.load %arg2[%get3A_39, %get3A_40] : memref<128x128xf32, #tpu.memory_space<vmem>>, vector<1x128xf32>
    %dot_general3A_42 = arith.constant dense<0.000000e+00> : vector<128x1xf32>
    %dot_general3A_43 = tpu.matmul %get3A_34, %get3A_41, %dot_general3A_42 {dimension_numbers = #tpu.dot_dimension_numbers<[1], [1], [0], [0], [0, 0, 1, 0], [], []>, transpose_lhs_hint = false} : vector<128x128xf32>, vector<1x128xf32>, vector<128x1xf32> -> vector<128x1xf32>
    %get3A_44 = arith.constant 0 : index
    %get3A_45 = arith.constant 0 : index
    %get3A_46 = vector.load %arg7[%get3A_44, %get3A_45] : memref<128x128xf32, #tpu.memory_space<vmem>>, vector<128x128xf32>
    %mul3A_47 = arith.constant 64 : i32
    %mul3A_48 = arith.muli %mul3A_47, %arg0 : i32
    %add3A_49 = arith.constant 4 : i32
    %add3A_50 = arith.addi %mul3A_48, %add3A_49 : i32
    %get3A_51 = arith.index_cast %add3A_50 : i32 to index
    %get3A_52 = arith.constant 0 : index
    %get3A_53 = vector.load %arg2[%get3A_51, %get3A_52] : memref<128x128xf32, #tpu.memory_space<vmem>>, vector<1x128xf32>
    %dot_general3A_54 = arith.constant dense<0.000000e+00> : vector<128x1xf32>
    %dot_general3A_55 = tpu.matmul %get3A_46, %get3A_53, %dot_general3A_54 {dimension_numbers = #tpu.dot_dimension_numbers<[1], [1], [0], [0], [0, 0, 1, 0], [], []>, transpose_lhs_hint = false} : vector<128x128xf32>, vector<1x128xf32>, vector<128x1xf32> -> vector<128x1xf32>
    %get3A_56 = arith.constant 0 : index
    %get3A_57 = arith.constant 0 : index
    %get3A_58 = vector.load %arg7[%get3A_56, %get3A_57] : memref<128x128xf32, #tpu.memory_space<vmem>>, vector<128x128xf32>
    %mul3A_59 = arith.constant 64 : i32
    %mul3A_60 = arith.muli %mul3A_59, %arg0 : i32
    %add3A_61 = arith.constant 5 : i32
    %add3A_62 = arith.addi %mul3A_60, %add3A_61 : i32
    %get3A_63 = arith.index_cast %add3A_62 : i32 to index
    %get3A_64 = arith.constant 0 : index
    %get3A_65 = vector.load %arg2[%get3A_63, %get3A_64] : memref<128x128xf32, #tpu.memory_space<vmem>>, vector<1x128xf32>
    %dot_general3A_66 = arith.constant dense<0.000000e+00> : vector<128x1xf32>
    %dot_general3A_67 = tpu.matmul %get3A_58, %get3A_65, %dot_general3A_66 {dimension_numbers = #tpu.dot_dimension_numbers<[1], [1], [0], [0], [0, 0, 1, 0], [], []>, transpose_lhs_hint = false} : vector<128x128xf32>, vector<1x128xf32>, vector<128x1xf32> -> vector<128x1xf32>
    %get3A_68 = arith.constant 0 : index
    %get3A_69 = arith.constant 0 : index
    %get3A_70 = vector.load %arg7[%get3A_68, %get3A_69] : memref<128x128xf32, #tpu.memory_space<vmem>>, vector<128x128xf32>
    %mul3A_71 = arith.constant 64 : i32
    %mul3A_72 = arith.muli %mul3A_71, %arg0 : i32
    %add3A_73 = arith.constant 6 : i32
    %add3A_74 = arith.addi %mul3A_72, %add3A_73 : i32
    %get3A_75 = arith.index_cast %add3A_74 : i32 to index
    %get3A_76 = arith.constant 0 : index
    %get3A_77 = vector.load %arg2[%get3A_75, %get3A_76] : memref<128x128xf32, #tpu.memory_space<vmem>>, vector<1x128xf32>
    %dot_general3A_78 = arith.constant dense<0.000000e+00> : vector<128x1xf32>
    %dot_general3A_79 = tpu.matmul %get3A_70, %get3A_77, %dot_general3A_78 {dimension_numbers = #tpu.dot_dimension_numbers<[1], [1], [0], [0], [0, 0, 1, 0], [], []>, transpose_lhs_hint = false} : vector<128x128xf32>, vector<1x128xf32>, vector<128x1xf32> -> vector<128x1xf32>
    %get3A_80 = arith.constant 0 : index
    %get3A_81 = arith.constant 0 : index
    %get3A_82 = vector.load %arg7[%get3A_80, %get3A_81] : memref<128x128xf32, #tpu.memory_space<vmem>>, vector<128x128xf32>
    %mul3A_83 = arith.constant 64 : i32
    %mul3A_84 = arith.muli %mul3A_83, %arg0 : i32
    %add3A_85 = arith.constant 7 : i32
    %add3A_86 = arith.addi %mul3A_84, %add3A_85 : i32
    %get3A_87 = arith.index_cast %add3A_86 : i32 to index
    %get3A_88 = arith.constant 0 : index
    %get3A_89 = vector.load %arg2[%get3A_87, %get3A_88] : memref<128x128xf32, #tpu.memory_space<vmem>>, vector<1x128xf32>
    %dot_general3A_90 = arith.constant dense<0.000000e+00> : vector<128x1xf32>
    %dot_general3A_91 = tpu.matmul %get3A_82, %get3A_89, %dot_general3A_90 {dimension_numbers = #tpu.dot_dimension_numbers<[1], [1], [0], [0], [0, 0, 1, 0], [], []>, transpose_lhs_hint = false} : vector<128x128xf32>, vector<1x128xf32>, vector<128x1xf32> -> vector<128x1xf32>
    %get3A_92 = arith.constant 0 : index
    %get3A_93 = arith.constant 0 : index
    %get3A_94 = vector.load %arg7[%get3A_92, %get3A_93] : memref<128x128xf32, #tpu.memory_space<vmem>>, vector<128x128xf32>
    %mul3A_95 = arith.constant 64 : i32
    %mul3A_96 = arith.muli %mul3A_95, %arg0 : i32
    %add3A_97 = arith.constant 8 : i32
    %add3A_98 = arith.addi %mul3A_96, %add3A_97 : i32
    %get3A_99 = arith.index_cast %add3A_98 : i32 to index
    %get3A_100 = arith.constant 0 : index
    %get3A_101 = vector.load %arg2[%get3A_99, %get3A_100] : memref<128x128xf32, #tpu.memory_space<vmem>>, vector<1x128xf32>
    %dot_general3A_102 = arith.constant dense<0.000000e+00> : vector<128x1xf32>
    %dot_general3A_103 = tpu.matmul %get3A_94, %get3A_101, %dot_general3A_102 {dimension_numbers = #tpu.dot_dimension_numbers<[1], [1], [0], [0], [0, 0, 1, 0], [], []>, transpose_lhs_hint = false} : vector<128x128xf32>, vector<1x128xf32>, vector<128x1xf32> -> vector<128x1xf32>
    %get3A_104 = arith.constant 0 : index
    %get3A_105 = arith.constant 0 : index
    %get3A_106 = vector.load %arg7[%get3A_104, %get3A_105] : memref<128x128xf32, #tpu.memory_space<vmem>>, vector<128x128xf32>
    %mul3A_107 = arith.constant 64 : i32
    %mul3A_108 = arith.muli %mul3A_107, %arg0 : i32
    %add3A_109 = arith.constant 9 : i32
    %add3A_110 = arith.addi %mul3A_108, %add3A_109 : i32
    %get3A_111 = arith.index_cast %add3A_110 : i32 to index
    %get3A_112 = arith.constant 0 : index
    %get3A_113 = vector.load %arg2[%get3A_111, %get3A_112] : memref<128x128xf32, #tpu.memory_space<vmem>>, vector<1x128xf32>
    %dot_general3A_114 = arith.constant dense<0.000000e+00> : vector<128x1xf32>
    %dot_general3A_115 = tpu.matmul %get3A_106, %get3A_113, %dot_general3A_114 {dimension_numbers = #tpu.dot_dimension_numbers<[1], [1], [0], [0], [0, 0, 1, 0], [], []>, transpose_lhs_hint = false} : vector<128x128xf32>, vector<1x128xf32>, vector<128x1xf32> -> vector<128x1xf32>
    %get3A_116 = arith.constant 0 : index
    %get3A_117 = arith.constant 0 : index
    %get3A_118 = vector.load %arg7[%get3A_116, %get3A_117] : memref<128x128xf32, #tpu.memory_space<vmem>>, vector<128x128xf32>
    %mul3A_119 = arith.constant 64 : i32
    %mul3A_120 = arith.muli %mul3A_119, %arg0 : i32
    %add3A_121 = arith.constant 10 : i32
    %add3A_122 = arith.addi %mul3A_120, %add3A_121 : i32
    %get3A_123 = arith.index_cast %add3A_122 : i32 to index
    %get3A_124 = arith.constant 0 : index
    %get3A_125 = vector.load %arg2[%get3A_123, %get3A_124] : memref<128x128xf32, #tpu.memory_space<vmem>>, vector<1x128xf32>
    %dot_general3A_126 = arith.constant dense<0.000000e+00> : vector<128x1xf32>
    %dot_general3A_127 = tpu.matmul %get3A_118, %get3A_125, %dot_general3A_126 {dimension_numbers = #tpu.dot_dimension_numbers<[1], [1], [0], [0], [0, 0, 1, 0], [], []>, transpose_lhs_hint = false} : vector<128x128xf32>, vector<1x128xf32>, vector<128x1xf32> -> vector<128x1xf32>
    %get3A_128 = arith.constant 0 : index
    %get3A_129 = arith.constant 0 : index
    %get3A_130 = vector.load %arg7[%get3A_128, %get3A_129] : memref<128x128xf32, #tpu.memory_space<vmem>>, vector<128x128xf32>
    %mul3A_131 = arith.constant 64 : i32
    %mul3A_132 = arith.muli %mul3A_131, %arg0 : i32
    %add3A_133 = arith.constant 11 : i32
    %add3A_134 = arith.addi %mul3A_132, %add3A_133 : i32
    %get3A_135 = arith.index_cast %add3A_134 : i32 to index
    %get3A_136 = arith.constant 0 : index
    %get3A_137 = vector.load %arg2[%get3A_135, %get3A_136] : memref<128x128xf32, #tpu.memory_space<vmem>>, vector<1x128xf32>
    %dot_general3A_138 = arith.constant dense<0.000000e+00> : vector<128x1xf32>
    %dot_general3A_139 = tpu.matmul %get3A_130, %get3A_137, %dot_general3A_138 {dimension_numbers = #tpu.dot_dimension_numbers<[1], [1], [0], [0], [0, 0, 1, 0], [], []>, transpose_lhs_hint = false} : vector<128x128xf32>, vector<1x128xf32>, vector<128x1xf32> -> vector<128x1xf32>
    %get3A_140 = arith.constant 0 : index
    %get3A_141 = arith.constant 0 : index
    %get3A_142 = vector.load %arg7[%get3A_140, %get3A_141] : memref<128x128xf32, #tpu.memory_space<vmem>>, vector<128x128xf32>
    %mul3A_143 = arith.constant 64 : i32
    %mul3A_144 = arith.muli %mul3A_143, %arg0 : i32
    %add3A_145 = arith.constant 12 : i32
    %add3A_146 = arith.addi %mul3A_144, %add3A_145 : i32
    %get3A_147 = arith.index_cast %add3A_146 : i32 to index
    %get3A_148 = arith.constant 0 : index
    %get3A_149 = vector.load %arg2[%get3A_147, %get3A_148] : memref<128x128xf32, #tpu.memory_space<vmem>>, vector<1x128xf32>
    %dot_general3A_150 = arith.constant dense<0.000000e+00> : vector<128x1xf32>
    %dot_general3A_151 = tpu.matmul %get3A_142, %get3A_149, %dot_general3A_150 {dimension_numbers = #tpu.dot_dimension_numbers<[1], [1], [0], [0], [0, 0, 1, 0], [], []>, transpose_lhs_hint = false} : vector<128x128xf32>, vector<1x128xf32>, vector<128x1xf32> -> vector<128x1xf32>
    %get3A_152 = arith.constant 0 : index
    %get3A_153 = arith.constant 0 : index
    %get3A_154 = vector.load %arg7[%get3A_152, %get3A_153] : memref<128x128xf32, #tpu.memory_space<vmem>>, vector<128x128xf32>
    %mul3A_155 = arith.constant 64 : i32
    %mul3A_156 = arith.muli %mul3A_155, %arg0 : i32
    %add3A_157 = arith.constant 13 : i32
    %add3A_158 = arith.addi %mul3A_156, %add3A_157 : i32
    %get3A_159 = arith.index_cast %add3A_158 : i32 to index
    %get3A_160 = arith.constant 0 : index
    %get3A_161 = vector.load %arg2[%get3A_159, %get3A_160] : memref<128x128xf32, #tpu.memory_space<vmem>>, vector<1x128xf32>
    %dot_general3A_162 = arith.constant dense<0.000000e+00> : vector<128x1xf32>
    %dot_general3A_163 = tpu.matmul %get3A_154, %get3A_161, %dot_general3A_162 {dimension_numbers = #tpu.dot_dimension_numbers<[1], [1], [0], [0], [0, 0, 1, 0], [], []>, transpose_lhs_hint = false} : vector<128x128xf32>, vector<1x128xf32>, vector<128x1xf32> -> vector<128x1xf32>
    %get3A_164 = arith.constant 0 : index
    %get3A_165 = arith.constant 0 : index
    %get3A_166 = vector.load %arg7[%get3A_164, %get3A_165] : memref<128x128xf32, #tpu.memory_space<vmem>>, vector<128x128xf32>
    %mul3A_167 = arith.constant 64 : i32
    %mul3A_168 = arith.muli %mul3A_167, %arg0 : i32
    %add3A_169 = arith.constant 14 : i32
    %add3A_170 = arith.addi %mul3A_168, %add3A_169 : i32
    %get3A_171 = arith.index_cast %add3A_170 : i32 to index
    %get3A_172 = arith.constant 0 : index
    %get3A_173 = vector.load %arg2[%get3A_171, %get3A_172] : memref<128x128xf32, #tpu.memory_space<vmem>>, vector<1x128xf32>
    %dot_general3A_174 = arith.constant dense<0.000000e+00> : vector<128x1xf32>
    %dot_general3A_175 = tpu.matmul %get3A_166, %get3A_173, %dot_general3A_174 {dimension_numbers = #tpu.dot_dimension_numbers<[1], [1], [0], [0], [0, 0, 1, 0], [], []>, transpose_lhs_hint = false} : vector<128x128xf32>, vector<1x128xf32>, vector<128x1xf32> -> vector<128x1xf32>
    %get3A_176 = arith.constant 0 : index
    %get3A_177 = arith.constant 0 : index
    %get3A_178 = vector.load %arg7[%get3A_176, %get3A_177] : memref<128x128xf32, #tpu.memory_space<vmem>>, vector<128x128xf32>
    %mul3A_179 = arith.constant 64 : i32
    %mul3A_180 = arith.muli %mul3A_179, %arg0 : i32
    %add3A_181 = arith.constant 15 : i32
    %add3A_182 = arith.addi %mul3A_180, %add3A_181 : i32
    %get3A_183 = arith.index_cast %add3A_182 : i32 to index
    %get3A_184 = arith.constant 0 : index
    %get3A_185 = vector.load %arg2[%get3A_183, %get3A_184] : memref<128x128xf32, #tpu.memory_space<vmem>>, vector<1x128xf32>
    %dot_general3A_186 = arith.constant dense<0.000000e+00> : vector<128x1xf32>
    %dot_general3A_187 = tpu.matmul %get3A_178, %get3A_185, %dot_general3A_186 {dimension_numbers = #tpu.dot_dimension_numbers<[1], [1], [0], [0], [0, 0, 1, 0], [], []>, transpose_lhs_hint = false} : vector<128x128xf32>, vector<1x128xf32>, vector<128x1xf32> -> vector<128x1xf32>
    %get3A_188 = arith.constant 0 : index
    %get3A_189 = arith.constant 0 : index
    %get3A_190 = vector.load %arg7[%get3A_188, %get3A_189] : memref<128x128xf32, #tpu.memory_space<vmem>>, vector<128x128xf32>
    %mul3A_191 = arith.constant 64 : i32
    %mul3A_192 = arith.muli %mul3A_191, %arg0 : i32
    %add3A_193 = arith.constant 16 : i32
    %add3A_194 = arith.addi %mul3A_192, %add3A_193 : i32
    %get3A_195 = arith.index_cast %add3A_194 : i32 to index
    %get3A_196 = arith.constant 0 : index
    %get3A_197 = vector.load %arg2[%get3A_195, %get3A_196] : memref<128x128xf32, #tpu.memory_space<vmem>>, vector<1x128xf32>
    %dot_general3A_198 = arith.constant dense<0.000000e+00> : vector<128x1xf32>
    %dot_general3A_199 = tpu.matmul %get3A_190, %get3A_197, %dot_general3A_198 {dimension_numbers = #tpu.dot_dimension_numbers<[1], [1], [0], [0], [0, 0, 1, 0], [], []>, transpose_lhs_hint = false} : vector<128x128xf32>, vector<1x128xf32>, vector<128x1xf32> -> vector<128x1xf32>
    %get3A_200 = arith.constant 0 : index
    %get3A_201 = arith.constant 0 : index
    %get3A_202 = vector.load %arg7[%get3A_200, %get3A_201] : memref<128x128xf32, #tpu.memory_space<vmem>>, vector<128x128xf32>
    %mul3A_203 = arith.constant 64 : i32
    %mul3A_204 = arith.muli %mul3A_203, %arg0 : i32
    %add3A_205 = arith.constant 17 : i32
    %add3A_206 = arith.addi %mul3A_204, %add3A_205 : i32
    %get3A_207 = arith.index_cast %add3A_206 : i32 to index
    %get3A_208 = arith.constant 0 : index
    %get3A_209 = vector.load %arg2[%get3A_207, %get3A_208] : memref<128x128xf32, #tpu.memory_space<vmem>>, vector<1x128xf32>
    %dot_general3A_210 = arith.constant dense<0.000000e+00> : vector<128x1xf32>
    %dot_general3A_211 = tpu.matmul %get3A_202, %get3A_209, %dot_general3A_210 {dimension_numbers = #tpu.dot_dimension_numbers<[1], [1], [0], [0], [0, 0, 1, 0], [], []>, transpose_lhs_hint = false} : vector<128x128xf32>, vector<1x128xf32>, vector<128x1xf32> -> vector<128x1xf32>
    %get3A_212 = arith.constant 0 : index
    %get3A_213 = arith.constant 0 : index
    %get3A_214 = vector.load %arg7[%get3A_212, %get3A_213] : memref<128x128xf32, #tpu.memory_space<vmem>>, vector<128x128xf32>
    %mul3A_215 = arith.constant 64 : i32
    %mul3A_216 = arith.muli %mul3A_215, %arg0 : i32
    %add3A_217 = arith.constant 18 : i32
    %add3A_218 = arith.addi %mul3A_216, %add3A_217 : i32
    %get3A_219 = arith.index_cast %add3A_218 : i32 to index
    %get3A_220 = arith.constant 0 : index
    %get3A_221 = vector.load %arg2[%get3A_219, %get3A_220] : memref<128x128xf32, #tpu.memory_space<vmem>>, vector<1x128xf32>
    %dot_general3A_222 = arith.constant dense<0.000000e+00> : vector<128x1xf32>
    %dot_general3A_223 = tpu.matmul %get3A_214, %get3A_221, %dot_general3A_222 {dimension_numbers = #tpu.dot_dimension_numbers<[1], [1], [0], [0], [0, 0, 1, 0], [], []>, transpose_lhs_hint = false} : vector<128x128xf32>, vector<1x128xf32>, vector<128x1xf32> -> vector<128x1xf32>
    %get3A_224 = arith.constant 0 : index
    %get3A_225 = arith.constant 0 : index
    %get3A_226 = vector.load %arg7[%get3A_224, %get3A_225] : memref<128x128xf32, #tpu.memory_space<vmem>>, vector<128x128xf32>
    %mul3A_227 = arith.constant 64 : i32
    %mul3A_228 = arith.muli %mul3A_227, %arg0 : i32
    %add3A_229 = arith.constant 19 : i32
    %add3A_230 = arith.addi %mul3A_228, %add3A_229 : i32
    %get3A_231 = arith.index_cast %add3A_230 : i32 to index
    %get3A_232 = arith.constant 0 : index
    %get3A_233 = vector.load %arg2[%get3A_231, %get3A_232] : memref<128x128xf32, #tpu.memory_space<vmem>>, vector<1x128xf32>
    %dot_general3A_234 = arith.constant dense<0.000000e+00> : vector<128x1xf32>
    %dot_general3A_235 = tpu.matmul %get3A_226, %get3A_233, %dot_general3A_234 {dimension_numbers = #tpu.dot_dimension_numbers<[1], [1], [0], [0], [0, 0, 1, 0], [], []>, transpose_lhs_hint = false} : vector<128x128xf32>, vector<1x128xf32>, vector<128x1xf32> -> vector<128x1xf32>
    %get3A_236 = arith.constant 0 : index
    %get3A_237 = arith.constant 0 : index
    %get3A_238 = vector.load %arg7[%get3A_236, %get3A_237] : memref<128x128xf32, #tpu.memory_space<vmem>>, vector<128x128xf32>
    %mul3A_239 = arith.constant 64 : i32
    %mul3A_240 = arith.muli %mul3A_239, %arg0 : i32
    %add3A_241 = arith.constant 20 : i32
    %add3A_242 = arith.addi %mul3A_240, %add3A_241 : i32
    %get3A_243 = arith.index_cast %add3A_242 : i32 to index
    %get3A_244 = arith.constant 0 : index
    %get3A_245 = vector.load %arg2[%get3A_243, %get3A_244] : memref<128x128xf32, #tpu.memory_space<vmem>>, vector<1x128xf32>
    %dot_general3A_246 = arith.constant dense<0.000000e+00> : vector<128x1xf32>
    %dot_general3A_247 = tpu.matmul %get3A_238, %get3A_245, %dot_general3A_246 {dimension_numbers = #tpu.dot_dimension_numbers<[1], [1], [0], [0], [0, 0, 1, 0], [], []>, transpose_lhs_hint = false} : vector<128x128xf32>, vector<1x128xf32>, vector<128x1xf32> -> vector<128x1xf32>
    %get3A_248 = arith.constant 0 : index
    %get3A_249 = arith.constant 0 : index
    %get3A_250 = vector.load %arg7[%get3A_248, %get3A_249] : memref<128x128xf32, #tpu.memory_space<vmem>>, vector<128x128xf32>
    %mul3A_251 = arith.constant 64 : i32
    %mul3A_252 = arith.muli %mul3A_251, %arg0 : i32
    %add3A_253 = arith.constant 21 : i32
    %add3A_254 = arith.addi %mul3A_252, %add3A_253 : i32
    %get3A_255 = arith.index_cast %add3A_254 : i32 to index
    %get3A_256 = arith.constant 0 : index
    %get3A_257 = vector.load %arg2[%get3A_255, %get3A_256] : memref<128x128xf32, #tpu.memory_space<vmem>>, vector<1x128xf32>
    %dot_general3A_258 = arith.constant dense<0.000000e+00> : vector<128x1xf32>
    %dot_general3A_259 = tpu.matmul %get3A_250, %get3A_257, %dot_general3A_258 {dimension_numbers = #tpu.dot_dimension_numbers<[1], [1], [0], [0], [0, 0, 1, 0], [], []>, transpose_lhs_hint = false} : vector<128x128xf32>, vector<1x128xf32>, vector<128x1xf32> -> vector<128x1xf32>
    %get3A_260 = arith.constant 0 : index
    %get3A_261 = arith.constant 0 : index
    %get3A_262 = vector.load %arg7[%get3A_260, %get3A_261] : memref<128x128xf32, #tpu.memory_space<vmem>>, vector<128x128xf32>
    %mul3A_263 = arith.constant 64 : i32
    %mul3A_264 = arith.muli %mul3A_263, %arg0 : i32
    %add3A_265 = arith.constant 22 : i32
    %add3A_266 = arith.addi %mul3A_264, %add3A_265 : i32
    %get3A_267 = arith.index_cast %add3A_266 : i32 to index
    %get3A_268 = arith.constant 0 : index
    %get3A_269 = vector.load %arg2[%get3A_267, %get3A_268] : memref<128x128xf32, #tpu.memory_space<vmem>>, vector<1x128xf32>
    %dot_general3A_270 = arith.constant dense<0.000000e+00> : vector<128x1xf32>
    %dot_general3A_271 = tpu.matmul %get3A_262, %get3A_269, %dot_general3A_270 {dimension_numbers = #tpu.dot_dimension_numbers<[1], [1], [0], [0], [0, 0, 1, 0], [], []>, transpose_lhs_hint = false} : vector<128x128xf32>, vector<1x128xf32>, vector<128x1xf32> -> vector<128x1xf32>
    %get3A_272 = arith.constant 0 : index
    %get3A_273 = arith.constant 0 : index
    %get3A_274 = vector.load %arg7[%get3A_272, %get3A_273] : memref<128x128xf32, #tpu.memory_space<vmem>>, vector<128x128xf32>
    %mul3A_275 = arith.constant 64 : i32
    %mul3A_276 = arith.muli %mul3A_275, %arg0 : i32
    %add3A_277 = arith.constant 23 : i32
    %add3A_278 = arith.addi %mul3A_276, %add3A_277 : i32
    %get3A_279 = arith.index_cast %add3A_278 : i32 to index
    %get3A_280 = arith.constant 0 : index
    %get3A_281 = vector.load %arg2[%get3A_279, %get3A_280] : memref<128x128xf32, #tpu.memory_space<vmem>>, vector<1x128xf32>
    %dot_general3A_282 = arith.constant dense<0.000000e+00> : vector<128x1xf32>
    %dot_general3A_283 = tpu.matmul %get3A_274, %get3A_281, %dot_general3A_282 {dimension_numbers = #tpu.dot_dimension_numbers<[1], [1], [0], [0], [0, 0, 1, 0], [], []>, transpose_lhs_hint = false} : vector<128x128xf32>, vector<1x128xf32>, vector<128x1xf32> -> vector<128x1xf32>
    %get3A_284 = arith.constant 0 : index
    %get3A_285 = arith.constant 0 : index
    %get3A_286 = vector.load %arg7[%get3A_284, %get3A_285] : memref<128x128xf32, #tpu.memory_space<vmem>>, vector<128x128xf32>
    %mul3A_287 = arith.constant 64 : i32
    %mul3A_288 = arith.muli %mul3A_287, %arg0 : i32
    %add3A_289 = arith.constant 24 : i32
    %add3A_290 = arith.addi %mul3A_288, %add3A_289 : i32
    %get3A_291 = arith.index_cast %add3A_290 : i32 to index
    %get3A_292 = arith.constant 0 : index
    %get3A_293 = vector.load %arg2[%get3A_291, %get3A_292] : memref<128x128xf32, #tpu.memory_space<vmem>>, vector<1x128xf32>
    %dot_general3A_294 = arith.constant dense<0.000000e+00> : vector<128x1xf32>
    %dot_general3A_295 = tpu.matmul %get3A_286, %get3A_293, %dot_general3A_294 {dimension_numbers = #tpu.dot_dimension_numbers<[1], [1], [0], [0], [0, 0, 1, 0], [], []>, transpose_lhs_hint = false} : vector<128x128xf32>, vector<1x128xf32>, vector<128x1xf32> -> vector<128x1xf32>
    %get3A_296 = arith.constant 0 : index
    %get3A_297 = arith.constant 0 : index
    %get3A_298 = vector.load %arg7[%get3A_296, %get3A_297] : memref<128x128xf32, #tpu.memory_space<vmem>>, vector<128x128xf32>
    %mul3A_299 = arith.constant 64 : i32
    %mul3A_300 = arith.muli %mul3A_299, %arg0 : i32
    %add3A_301 = arith.constant 25 : i32
    %add3A_302 = arith.addi %mul3A_300, %add3A_301 : i32
    %get3A_303 = arith.index_cast %add3A_302 : i32 to index
    %get3A_304 = arith.constant 0 : index
    %get3A_305 = vector.load %arg2[%get3A_303, %get3A_304] : memref<128x128xf32, #tpu.memory_space<vmem>>, vector<1x128xf32>
    %dot_general3A_306 = arith.constant dense<0.000000e+00> : vector<128x1xf32>
    %dot_general3A_307 = tpu.matmul %get3A_298, %get3A_305, %dot_general3A_306 {dimension_numbers = #tpu.dot_dimension_numbers<[1], [1], [0], [0], [0, 0, 1, 0], [], []>, transpose_lhs_hint = false} : vector<128x128xf32>, vector<1x128xf32>, vector<128x1xf32> -> vector<128x1xf32>
    %get3A_308 = arith.constant 0 : index
    %get3A_309 = arith.constant 0 : index
    %get3A_310 = vector.load %arg7[%get3A_308, %get3A_309] : memref<128x128xf32, #tpu.memory_space<vmem>>, vector<128x128xf32>
    %mul3A_311 = arith.constant 64 : i32
    %mul3A_312 = arith.muli %mul3A_311, %arg0 : i32
    %add3A_313 = arith.constant 26 : i32
    %add3A_314 = arith.addi %mul3A_312, %add3A_313 : i32
    %get3A_315 = arith.index_cast %add3A_314 : i32 to index
    %get3A_316 = arith.constant 0 : index
    %get3A_317 = vector.load %arg2[%get3A_315, %get3A_316] : memref<128x128xf32, #tpu.memory_space<vmem>>, vector<1x128xf32>
    %dot_general3A_318 = arith.constant dense<0.000000e+00> : vector<128x1xf32>
    %dot_general3A_319 = tpu.matmul %get3A_310, %get3A_317, %dot_general3A_318 {dimension_numbers = #tpu.dot_dimension_numbers<[1], [1], [0], [0], [0, 0, 1, 0], [], []>, transpose_lhs_hint = false} : vector<128x128xf32>, vector<1x128xf32>, vector<128x1xf32> -> vector<128x1xf32>
    %get3A_320 = arith.constant 0 : index
    %get3A_321 = arith.constant 0 : index
    %get3A_322 = vector.load %arg7[%get3A_320, %get3A_321] : memref<128x128xf32, #tpu.memory_space<vmem>>, vector<128x128xf32>
    %mul3A_323 = arith.constant 64 : i32
    %mul3A_324 = arith.muli %mul3A_323, %arg0 : i32
    %add3A_325 = arith.constant 27 : i32
    %add3A_326 = arith.addi %mul3A_324, %add3A_325 : i32
    %get3A_327 = arith.index_cast %add3A_326 : i32 to index
    %get3A_328 = arith.constant 0 : index
    %get3A_329 = vector.load %arg2[%get3A_327, %get3A_328] : memref<128x128xf32, #tpu.memory_space<vmem>>, vector<1x128xf32>
    %dot_general3A_330 = arith.constant dense<0.000000e+00> : vector<128x1xf32>
    %dot_general3A_331 = tpu.matmul %get3A_322, %get3A_329, %dot_general3A_330 {dimension_numbers = #tpu.dot_dimension_numbers<[1], [1], [0], [0], [0, 0, 1, 0], [], []>, transpose_lhs_hint = false} : vector<128x128xf32>, vector<1x128xf32>, vector<128x1xf32> -> vector<128x1xf32>
    %get3A_332 = arith.constant 0 : index
    %get3A_333 = arith.constant 0 : index
    %get3A_334 = vector.load %arg7[%get3A_332, %get3A_333] : memref<128x128xf32, #tpu.memory_space<vmem>>, vector<128x128xf32>
    %mul3A_335 = arith.constant 64 : i32
    %mul3A_336 = arith.muli %mul3A_335, %arg0 : i32
    %add3A_337 = arith.constant 28 : i32
    %add3A_338 = arith.addi %mul3A_336, %add3A_337 : i32
    %get3A_339 = arith.index_cast %add3A_338 : i32 to index
    %get3A_340 = arith.constant 0 : index
    %get3A_341 = vector.load %arg2[%get3A_339, %get3A_340] : memref<128x128xf32, #tpu.memory_space<vmem>>, vector<1x128xf32>
    %dot_general3A_342 = arith.constant dense<0.000000e+00> : vector<128x1xf32>
    %dot_general3A_343 = tpu.matmul %get3A_334, %get3A_341, %dot_general3A_342 {dimension_numbers = #tpu.dot_dimension_numbers<[1], [1], [0], [0], [0, 0, 1, 0], [], []>, transpose_lhs_hint = false} : vector<128x128xf32>, vector<1x128xf32>, vector<128x1xf32> -> vector<128x1xf32>
    %get3A_344 = arith.constant 0 : index
    %get3A_345 = arith.constant 0 : index
    %get3A_346 = vector.load %arg7[%get3A_344, %get3A_345] : memref<128x128xf32, #tpu.memory_space<vmem>>, vector<128x128xf32>
    %mul3A_347 = arith.constant 64 : i32
    %mul3A_348 = arith.muli %mul3A_347, %arg0 : i32
    %add3A_349 = arith.constant 29 : i32
    %add3A_350 = arith.addi %mul3A_348, %add3A_349 : i32
    %get3A_351 = arith.index_cast %add3A_350 : i32 to index
    %get3A_352 = arith.constant 0 : index
    %get3A_353 = vector.load %arg2[%get3A_351, %get3A_352] : memref<128x128xf32, #tpu.memory_space<vmem>>, vector<1x128xf32>
    %dot_general3A_354 = arith.constant dense<0.000000e+00> : vector<128x1xf32>
    %dot_general3A_355 = tpu.matmul %get3A_346, %get3A_353, %dot_general3A_354 {dimension_numbers = #tpu.dot_dimension_numbers<[1], [1], [0], [0], [0, 0, 1, 0], [], []>, transpose_lhs_hint = false} : vector<128x128xf32>, vector<1x128xf32>, vector<128x1xf32> -> vector<128x1xf32>
    %get3A_356 = arith.constant 0 : index
    %get3A_357 = arith.constant 0 : index
    %get3A_358 = vector.load %arg7[%get3A_356, %get3A_357] : memref<128x128xf32, #tpu.memory_space<vmem>>, vector<128x128xf32>
    %mul3A_359 = arith.constant 64 : i32
    %mul3A_360 = arith.muli %mul3A_359, %arg0 : i32
    %add3A_361 = arith.constant 30 : i32
    %add3A_362 = arith.addi %mul3A_360, %add3A_361 : i32
    %get3A_363 = arith.index_cast %add3A_362 : i32 to index
    %get3A_364 = arith.constant 0 : index
    %get3A_365 = vector.load %arg2[%get3A_363, %get3A_364] : memref<128x128xf32, #tpu.memory_space<vmem>>, vector<1x128xf32>
    %dot_general3A_366 = arith.constant dense<0.000000e+00> : vector<128x1xf32>
    %dot_general3A_367 = tpu.matmul %get3A_358, %get3A_365, %dot_general3A_366 {dimension_numbers = #tpu.dot_dimension_numbers<[1], [1], [0], [0], [0, 0, 1, 0], [], []>, transpose_lhs_hint = false} : vector<128x128xf32>, vector<1x128xf32>, vector<128x1xf32> -> vector<128x1xf32>
    %get3A_368 = arith.constant 0 : index
    %get3A_369 = arith.constant 0 : index
    %get3A_370 = vector.load %arg7[%get3A_368, %get3A_369] : memref<128x128xf32, #tpu.memory_space<vmem>>, vector<128x128xf32>
    %mul3A_371 = arith.constant 64 : i32
    %mul3A_372 = arith.muli %mul3A_371, %arg0 : i32
    %add3A_373 = arith.constant 31 : i32
    %add3A_374 = arith.addi %mul3A_372, %add3A_373 : i32
    %get3A_375 = arith.index_cast %add3A_374 : i32 to index
    %get3A_376 = arith.constant 0 : index
    %get3A_377 = vector.load %arg2[%get3A_375, %get3A_376] : memref<128x128xf32, #tpu.memory_space<vmem>>, vector<1x128xf32>
    %dot_general3A_378 = arith.constant dense<0.000000e+00> : vector<128x1xf32>
    %dot_general3A_379 = tpu.matmul %get3A_370, %get3A_377, %dot_general3A_378 {dimension_numbers = #tpu.dot_dimension_numbers<[1], [1], [0], [0], [0, 0, 1, 0], [], []>, transpose_lhs_hint = false} : vector<128x128xf32>, vector<1x128xf32>, vector<128x1xf32> -> vector<128x1xf32>
    %get3A_380 = arith.constant 0 : index
    %get3A_381 = arith.constant 0 : index
    %get3A_382 = vector.load %arg7[%get3A_380, %get3A_381] : memref<128x128xf32, #tpu.memory_space<vmem>>, vector<128x128xf32>
    %mul3A_383 = arith.constant 64 : i32
    %mul3A_384 = arith.muli %mul3A_383, %arg0 : i32
    %add3A_385 = arith.constant 32 : i32
    %add3A_386 = arith.addi %mul3A_384, %add3A_385 : i32
    %get3A_387 = arith.index_cast %add3A_386 : i32 to index
    %get3A_388 = arith.constant 0 : index
    %get3A_389 = vector.load %arg2[%get3A_387, %get3A_388] : memref<128x128xf32, #tpu.memory_space<vmem>>, vector<1x128xf32>
    %dot_general3A_390 = arith.constant dense<0.000000e+00> : vector<128x1xf32>
    %dot_general3A_391 = tpu.matmul %get3A_382, %get3A_389, %dot_general3A_390 {dimension_numbers = #tpu.dot_dimension_numbers<[1], [1], [0], [0], [0, 0, 1, 0], [], []>, transpose_lhs_hint = false} : vector<128x128xf32>, vector<1x128xf32>, vector<128x1xf32> -> vector<128x1xf32>
    %get3A_392 = arith.constant 0 : index
    %get3A_393 = arith.constant 0 : index
    %get3A_394 = vector.load %arg7[%get3A_392, %get3A_393] : memref<128x128xf32, #tpu.memory_space<vmem>>, vector<128x128xf32>
    %mul3A_395 = arith.constant 64 : i32
    %mul3A_396 = arith.muli %mul3A_395, %arg0 : i32
    %add3A_397 = arith.constant 33 : i32
    %add3A_398 = arith.addi %mul3A_396, %add3A_397 : i32
    %get3A_399 = arith.index_cast %add3A_398 : i32 to index
    %get3A_400 = arith.constant 0 : index
    %get3A_401 = vector.load %arg2[%get3A_399, %get3A_400] : memref<128x128xf32, #tpu.memory_space<vmem>>, vector<1x128xf32>
    %dot_general3A_402 = arith.constant dense<0.000000e+00> : vector<128x1xf32>
    %dot_general3A_403 = tpu.matmul %get3A_394, %get3A_401, %dot_general3A_402 {dimension_numbers = #tpu.dot_dimension_numbers<[1], [1], [0], [0], [0, 0, 1, 0], [], []>, transpose_lhs_hint = false} : vector<128x128xf32>, vector<1x128xf32>, vector<128x1xf32> -> vector<128x1xf32>
    %get3A_404 = arith.constant 0 : index
    %get3A_405 = arith.constant 0 : index
    %get3A_406 = vector.load %arg7[%get3A_404, %get3A_405] : memref<128x128xf32, #tpu.memory_space<vmem>>, vector<128x128xf32>
    %mul3A_407 = arith.constant 64 : i32
    %mul3A_408 = arith.muli %mul3A_407, %arg0 : i32
    %add3A_409 = arith.constant 34 : i32
    %add3A_410 = arith.addi %mul3A_408, %add3A_409 : i32
    %get3A_411 = arith.index_cast %add3A_410 : i32 to index
    %get3A_412 = arith.constant 0 : index
    %get3A_413 = vector.load %arg2[%get3A_411, %get3A_412] : memref<128x128xf32, #tpu.memory_space<vmem>>, vector<1x128xf32>
    %dot_general3A_414 = arith.constant dense<0.000000e+00> : vector<128x1xf32>
    %dot_general3A_415 = tpu.matmul %get3A_406, %get3A_413, %dot_general3A_414 {dimension_numbers = #tpu.dot_dimension_numbers<[1], [1], [0], [0], [0, 0, 1, 0], [], []>, transpose_lhs_hint = false} : vector<128x128xf32>, vector<1x128xf32>, vector<128x1xf32> -> vector<128x1xf32>
    %get3A_416 = arith.constant 0 : index
    %get3A_417 = arith.constant 0 : index
    %get3A_418 = vector.load %arg7[%get3A_416, %get3A_417] : memref<128x128xf32, #tpu.memory_space<vmem>>, vector<128x128xf32>
    %mul3A_419 = arith.constant 64 : i32
    %mul3A_420 = arith.muli %mul3A_419, %arg0 : i32
    %add3A_421 = arith.constant 35 : i32
    %add3A_422 = arith.addi %mul3A_420, %add3A_421 : i32
    %get3A_423 = arith.index_cast %add3A_422 : i32 to index
    %get3A_424 = arith.constant 0 : index
    %get3A_425 = vector.load %arg2[%get3A_423, %get3A_424] : memref<128x128xf32, #tpu.memory_space<vmem>>, vector<1x128xf32>
    %dot_general3A_426 = arith.constant dense<0.000000e+00> : vector<128x1xf32>
    %dot_general3A_427 = tpu.matmul %get3A_418, %get3A_425, %dot_general3A_426 {dimension_numbers = #tpu.dot_dimension_numbers<[1], [1], [0], [0], [0, 0, 1, 0], [], []>, transpose_lhs_hint = false} : vector<128x128xf32>, vector<1x128xf32>, vector<128x1xf32> -> vector<128x1xf32>
    %get3A_428 = arith.constant 0 : index
    %get3A_429 = arith.constant 0 : index
    %get3A_430 = vector.load %arg7[%get3A_428, %get3A_429] : memref<128x128xf32, #tpu.memory_space<vmem>>, vector<128x128xf32>
    %mul3A_431 = arith.constant 64 : i32
    %mul3A_432 = arith.muli %mul3A_431, %arg0 : i32
    %add3A_433 = arith.constant 36 : i32
    %add3A_434 = arith.addi %mul3A_432, %add3A_433 : i32
    %get3A_435 = arith.index_cast %add3A_434 : i32 to index
    %get3A_436 = arith.constant 0 : index
    %get3A_437 = vector.load %arg2[%get3A_435, %get3A_436] : memref<128x128xf32, #tpu.memory_space<vmem>>, vector<1x128xf32>
    %dot_general3A_438 = arith.constant dense<0.000000e+00> : vector<128x1xf32>
    %dot_general3A_439 = tpu.matmul %get3A_430, %get3A_437, %dot_general3A_438 {dimension_numbers = #tpu.dot_dimension_numbers<[1], [1], [0], [0], [0, 0, 1, 0], [], []>, transpose_lhs_hint = false} : vector<128x128xf32>, vector<1x128xf32>, vector<128x1xf32> -> vector<128x1xf32>
    %get3A_440 = arith.constant 0 : index
    %get3A_441 = arith.constant 0 : index
    %get3A_442 = vector.load %arg7[%get3A_440, %get3A_441] : memref<128x128xf32, #tpu.memory_space<vmem>>, vector<128x128xf32>
    %mul3A_443 = arith.constant 64 : i32
    %mul3A_444 = arith.muli %mul3A_443, %arg0 : i32
    %add3A_445 = arith.constant 37 : i32
    %add3A_446 = arith.addi %mul3A_444, %add3A_445 : i32
    %get3A_447 = arith.index_cast %add3A_446 : i32 to index
    %get3A_448 = arith.constant 0 : index
    %get3A_449 = vector.load %arg2[%get3A_447, %get3A_448] : memref<128x128xf32, #tpu.memory_space<vmem>>, vector<1x128xf32>
    %dot_general3A_450 = arith.constant dense<0.000000e+00> : vector<128x1xf32>
    %dot_general3A_451 = tpu.matmul %get3A_442, %get3A_449, %dot_general3A_450 {dimension_numbers = #tpu.dot_dimension_numbers<[1], [1], [0], [0], [0, 0, 1, 0], [], []>, transpose_lhs_hint = false} : vector<128x128xf32>, vector<1x128xf32>, vector<128x1xf32> -> vector<128x1xf32>
    %get3A_452 = arith.constant 0 : index
    %get3A_453 = arith.constant 0 : index
    %get3A_454 = vector.load %arg7[%get3A_452, %get3A_453] : memref<128x128xf32, #tpu.memory_space<vmem>>, vector<128x128xf32>
    %mul3A_455 = arith.constant 64 : i32
    %mul3A_456 = arith.muli %mul3A_455, %arg0 : i32
    %add3A_457 = arith.constant 38 : i32
    %add3A_458 = arith.addi %mul3A_456, %add3A_457 : i32
    %get3A_459 = arith.index_cast %add3A_458 : i32 to index
    %get3A_460 = arith.constant 0 : index
    %get3A_461 = vector.load %arg2[%get3A_459, %get3A_460] : memref<128x128xf32, #tpu.memory_space<vmem>>, vector<1x128xf32>
    %dot_general3A_462 = arith.constant dense<0.000000e+00> : vector<128x1xf32>
    %dot_general3A_463 = tpu.matmul %get3A_454, %get3A_461, %dot_general3A_462 {dimension_numbers = #tpu.dot_dimension_numbers<[1], [1], [0], [0], [0, 0, 1, 0], [], []>, transpose_lhs_hint = false} : vector<128x128xf32>, vector<1x128xf32>, vector<128x1xf32> -> vector<128x1xf32>
    %get3A_464 = arith.constant 0 : index
    %get3A_465 = arith.constant 0 : index
    %get3A_466 = vector.load %arg7[%get3A_464, %get3A_465] : memref<128x128xf32, #tpu.memory_space<vmem>>, vector<128x128xf32>
    %mul3A_467 = arith.constant 64 : i32
    %mul3A_468 = arith.muli %mul3A_467, %arg0 : i32
    %add3A_469 = arith.constant 39 : i32
    %add3A_470 = arith.addi %mul3A_468, %add3A_469 : i32
    %get3A_471 = arith.index_cast %add3A_470 : i32 to index
    %get3A_472 = arith.constant 0 : index
    %get3A_473 = vector.load %arg2[%get3A_471, %get3A_472] : memref<128x128xf32, #tpu.memory_space<vmem>>, vector<1x128xf32>
    %dot_general3A_474 = arith.constant dense<0.000000e+00> : vector<128x1xf32>
    %dot_general3A_475 = tpu.matmul %get3A_466, %get3A_473, %dot_general3A_474 {dimension_numbers = #tpu.dot_dimension_numbers<[1], [1], [0], [0], [0, 0, 1, 0], [], []>, transpose_lhs_hint = false} : vector<128x128xf32>, vector<1x128xf32>, vector<128x1xf32> -> vector<128x1xf32>
    %get3A_476 = arith.constant 0 : index
    %get3A_477 = arith.constant 0 : index
    %get3A_478 = vector.load %arg7[%get3A_476, %get3A_477] : memref<128x128xf32, #tpu.memory_space<vmem>>, vector<128x128xf32>
    %mul3A_479 = arith.constant 64 : i32
    %mul3A_480 = arith.muli %mul3A_479, %arg0 : i32
    %add3A_481 = arith.constant 40 : i32
    %add3A_482 = arith.addi %mul3A_480, %add3A_481 : i32
    %get3A_483 = arith.index_cast %add3A_482 : i32 to index
    %get3A_484 = arith.constant 0 : index
    %get3A_485 = vector.load %arg2[%get3A_483, %get3A_484] : memref<128x128xf32, #tpu.memory_space<vmem>>, vector<1x128xf32>
    %dot_general3A_486 = arith.constant dense<0.000000e+00> : vector<128x1xf32>
    %dot_general3A_487 = tpu.matmul %get3A_478, %get3A_485, %dot_general3A_486 {dimension_numbers = #tpu.dot_dimension_numbers<[1], [1], [0], [0], [0, 0, 1, 0], [], []>, transpose_lhs_hint = false} : vector<128x128xf32>, vector<1x128xf32>, vector<128x1xf32> -> vector<128x1xf32>
    %get3A_488 = arith.constant 0 : index
    %get3A_489 = arith.constant 0 : index
    %get3A_490 = vector.load %arg7[%get3A_488, %get3A_489] : memref<128x128xf32, #tpu.memory_space<vmem>>, vector<128x128xf32>
    %mul3A_491 = arith.constant 64 : i32
    %mul3A_492 = arith.muli %mul3A_491, %arg0 : i32
    %add3A_493 = arith.constant 41 : i32
    %add3A_494 = arith.addi %mul3A_492, %add3A_493 : i32
    %get3A_495 = arith.index_cast %add3A_494 : i32 to index
    %get3A_496 = arith.constant 0 : index
    %get3A_497 = vector.load %arg2[%get3A_495, %get3A_496] : memref<128x128xf32, #tpu.memory_space<vmem>>, vector<1x128xf32>
    %dot_general3A_498 = arith.constant dense<0.000000e+00> : vector<128x1xf32>
    %dot_general3A_499 = tpu.matmul %get3A_490, %get3A_497, %dot_general3A_498 {dimension_numbers = #tpu.dot_dimension_numbers<[1], [1], [0], [0], [0, 0, 1, 0], [], []>, transpose_lhs_hint = false} : vector<128x128xf32>, vector<1x128xf32>, vector<128x1xf32> -> vector<128x1xf32>
    %get3A_500 = arith.constant 0 : index
    %get3A_501 = arith.constant 0 : index
    %get3A_502 = vector.load %arg7[%get3A_500, %get3A_501] : memref<128x128xf32, #tpu.memory_space<vmem>>, vector<128x128xf32>
    %mul3A_503 = arith.constant 64 : i32
    %mul3A_504 = arith.muli %mul3A_503, %arg0 : i32
    %add3A_505 = arith.constant 42 : i32
    %add3A_506 = arith.addi %mul3A_504, %add3A_505 : i32
    %get3A_507 = arith.index_cast %add3A_506 : i32 to index
    %get3A_508 = arith.constant 0 : index
    %get3A_509 = vector.load %arg2[%get3A_507, %get3A_508] : memref<128x128xf32, #tpu.memory_space<vmem>>, vector<1x128xf32>
    %dot_general3A_510 = arith.constant dense<0.000000e+00> : vector<128x1xf32>
    %dot_general3A_511 = tpu.matmul %get3A_502, %get3A_509, %dot_general3A_510 {dimension_numbers = #tpu.dot_dimension_numbers<[1], [1], [0], [0], [0, 0, 1, 0], [], []>, transpose_lhs_hint = false} : vector<128x128xf32>, vector<1x128xf32>, vector<128x1xf32> -> vector<128x1xf32>
    %get3A_512 = arith.constant 0 : index
    %get3A_513 = arith.constant 0 : index
    %get3A_514 = vector.load %arg7[%get3A_512, %get3A_513] : memref<128x128xf32, #tpu.memory_space<vmem>>, vector<128x128xf32>
    %mul3A_515 = arith.constant 64 : i32
    %mul3A_516 = arith.muli %mul3A_515, %arg0 : i32
    %add3A_517 = arith.constant 43 : i32
    %add3A_518 = arith.addi %mul3A_516, %add3A_517 : i32
    %get3A_519 = arith.index_cast %add3A_518 : i32 to index
    %get3A_520 = arith.constant 0 : index
    %get3A_521 = vector.load %arg2[%get3A_519, %get3A_520] : memref<128x128xf32, #tpu.memory_space<vmem>>, vector<1x128xf32>
    %dot_general3A_522 = arith.constant dense<0.000000e+00> : vector<128x1xf32>
    %dot_general3A_523 = tpu.matmul %get3A_514, %get3A_521, %dot_general3A_522 {dimension_numbers = #tpu.dot_dimension_numbers<[1], [1], [0], [0], [0, 0, 1, 0], [], []>, transpose_lhs_hint = false} : vector<128x128xf32>, vector<1x128xf32>, vector<128x1xf32> -> vector<128x1xf32>
    %get3A_524 = arith.constant 0 : index
    %get3A_525 = arith.constant 0 : index
    %get3A_526 = vector.load %arg7[%get3A_524, %get3A_525] : memref<128x128xf32, #tpu.memory_space<vmem>>, vector<128x128xf32>
    %mul3A_527 = arith.constant 64 : i32
    %mul3A_528 = arith.muli %mul3A_527, %arg0 : i32
    %add3A_529 = arith.constant 44 : i32
    %add3A_530 = arith.addi %mul3A_528, %add3A_529 : i32
    %get3A_531 = arith.index_cast %add3A_530 : i32 to index
    %get3A_532 = arith.constant 0 : index
    %get3A_533 = vector.load %arg2[%get3A_531, %get3A_532] : memref<128x128xf32, #tpu.memory_space<vmem>>, vector<1x128xf32>
    %dot_general3A_534 = arith.constant dense<0.000000e+00> : vector<128x1xf32>
    %dot_general3A_535 = tpu.matmul %get3A_526, %get3A_533, %dot_general3A_534 {dimension_numbers = #tpu.dot_dimension_numbers<[1], [1], [0], [0], [0, 0, 1, 0], [], []>, transpose_lhs_hint = false} : vector<128x128xf32>, vector<1x128xf32>, vector<128x1xf32> -> vector<128x1xf32>
    %get3A_536 = arith.constant 0 : index
    %get3A_537 = arith.constant 0 : index
    %get3A_538 = vector.load %arg7[%get3A_536, %get3A_537] : memref<128x128xf32, #tpu.memory_space<vmem>>, vector<128x128xf32>
    %mul3A_539 = arith.constant 64 : i32
    %mul3A_540 = arith.muli %mul3A_539, %arg0 : i32
    %add3A_541 = arith.constant 45 : i32
    %add3A_542 = arith.addi %mul3A_540, %add3A_541 : i32
    %get3A_543 = arith.index_cast %add3A_542 : i32 to index
    %get3A_544 = arith.constant 0 : index
    %get3A_545 = vector.load %arg2[%get3A_543, %get3A_544] : memref<128x128xf32, #tpu.memory_space<vmem>>, vector<1x128xf32>
    %dot_general3A_546 = arith.constant dense<0.000000e+00> : vector<128x1xf32>
    %dot_general3A_547 = tpu.matmul %get3A_538, %get3A_545, %dot_general3A_546 {dimension_numbers = #tpu.dot_dimension_numbers<[1], [1], [0], [0], [0, 0, 1, 0], [], []>, transpose_lhs_hint = false} : vector<128x128xf32>, vector<1x128xf32>, vector<128x1xf32> -> vector<128x1xf32>
    %get3A_548 = arith.constant 0 : index
    %get3A_549 = arith.constant 0 : index
    %get3A_550 = vector.load %arg7[%get3A_548, %get3A_549] : memref<128x128xf32, #tpu.memory_space<vmem>>, vector<128x128xf32>
    %mul3A_551 = arith.constant 64 : i32
    %mul3A_552 = arith.muli %mul3A_551, %arg0 : i32
    %add3A_553 = arith.constant 46 : i32
    %add3A_554 = arith.addi %mul3A_552, %add3A_553 : i32
    %get3A_555 = arith.index_cast %add3A_554 : i32 to index
    %get3A_556 = arith.constant 0 : index
    %get3A_557 = vector.load %arg2[%get3A_555, %get3A_556] : memref<128x128xf32, #tpu.memory_space<vmem>>, vector<1x128xf32>
    %dot_general3A_558 = arith.constant dense<0.000000e+00> : vector<128x1xf32>
    %dot_general3A_559 = tpu.matmul %get3A_550, %get3A_557, %dot_general3A_558 {dimension_numbers = #tpu.dot_dimension_numbers<[1], [1], [0], [0], [0, 0, 1, 0], [], []>, transpose_lhs_hint = false} : vector<128x128xf32>, vector<1x128xf32>, vector<128x1xf32> -> vector<128x1xf32>
    %get3A_560 = arith.constant 0 : index
    %get3A_561 = arith.constant 0 : index
    %get3A_562 = vector.load %arg7[%get3A_560, %get3A_561] : memref<128x128xf32, #tpu.memory_space<vmem>>, vector<128x128xf32>
    %mul3A_563 = arith.constant 64 : i32
    %mul3A_564 = arith.muli %mul3A_563, %arg0 : i32
    %add3A_565 = arith.constant 47 : i32
    %add3A_566 = arith.addi %mul3A_564, %add3A_565 : i32
    %get3A_567 = arith.index_cast %add3A_566 : i32 to index
    %get3A_568 = arith.constant 0 : index
    %get3A_569 = vector.load %arg2[%get3A_567, %get3A_568] : memref<128x128xf32, #tpu.memory_space<vmem>>, vector<1x128xf32>
    %dot_general3A_570 = arith.constant dense<0.000000e+00> : vector<128x1xf32>
    %dot_general3A_571 = tpu.matmul %get3A_562, %get3A_569, %dot_general3A_570 {dimension_numbers = #tpu.dot_dimension_numbers<[1], [1], [0], [0], [0, 0, 1, 0], [], []>, transpose_lhs_hint = false} : vector<128x128xf32>, vector<1x128xf32>, vector<128x1xf32> -> vector<128x1xf32>
    %get3A_572 = arith.constant 0 : index
    %get3A_573 = arith.constant 0 : index
    %get3A_574 = vector.load %arg7[%get3A_572, %get3A_573] : memref<128x128xf32, #tpu.memory_space<vmem>>, vector<128x128xf32>
    %mul3A_575 = arith.constant 64 : i32
    %mul3A_576 = arith.muli %mul3A_575, %arg0 : i32
    %add3A_577 = arith.constant 48 : i32
    %add3A_578 = arith.addi %mul3A_576, %add3A_577 : i32
    %get3A_579 = arith.index_cast %add3A_578 : i32 to index
    %get3A_580 = arith.constant 0 : index
    %get3A_581 = vector.load %arg2[%get3A_579, %get3A_580] : memref<128x128xf32, #tpu.memory_space<vmem>>, vector<1x128xf32>
    %dot_general3A_582 = arith.constant dense<0.000000e+00> : vector<128x1xf32>
    %dot_general3A_583 = tpu.matmul %get3A_574, %get3A_581, %dot_general3A_582 {dimension_numbers = #tpu.dot_dimension_numbers<[1], [1], [0], [0], [0, 0, 1, 0], [], []>, transpose_lhs_hint = false} : vector<128x128xf32>, vector<1x128xf32>, vector<128x1xf32> -> vector<128x1xf32>
    %get3A_584 = arith.constant 0 : index
    %get3A_585 = arith.constant 0 : index
    %get3A_586 = vector.load %arg7[%get3A_584, %get3A_585] : memref<128x128xf32, #tpu.memory_space<vmem>>, vector<128x128xf32>
    %mul3A_587 = arith.constant 64 : i32
    %mul3A_588 = arith.muli %mul3A_587, %arg0 : i32
    %add3A_589 = arith.constant 49 : i32
    %add3A_590 = arith.addi %mul3A_588, %add3A_589 : i32
    %get3A_591 = arith.index_cast %add3A_590 : i32 to index
    %get3A_592 = arith.constant 0 : index
    %get3A_593 = vector.load %arg2[%get3A_591, %get3A_592] : memref<128x128xf32, #tpu.memory_space<vmem>>, vector<1x128xf32>
    %dot_general3A_594 = arith.constant dense<0.000000e+00> : vector<128x1xf32>
    %dot_general3A_595 = tpu.matmul %get3A_586, %get3A_593, %dot_general3A_594 {dimension_numbers = #tpu.dot_dimension_numbers<[1], [1], [0], [0], [0, 0, 1, 0], [], []>, transpose_lhs_hint = false} : vector<128x128xf32>, vector<1x128xf32>, vector<128x1xf32> -> vector<128x1xf32>
    %get3A_596 = arith.constant 0 : index
    %get3A_597 = arith.constant 0 : index
    %get3A_598 = vector.load %arg7[%get3A_596, %get3A_597] : memref<128x128xf32, #tpu.memory_space<vmem>>, vector<128x128xf32>
    %mul3A_599 = arith.constant 64 : i32
    %mul3A_600 = arith.muli %mul3A_599, %arg0 : i32
    %add3A_601 = arith.constant 50 : i32
    %add3A_602 = arith.addi %mul3A_600, %add3A_601 : i32
    %get3A_603 = arith.index_cast %add3A_602 : i32 to index
    %get3A_604 = arith.constant 0 : index
    %get3A_605 = vector.load %arg2[%get3A_603, %get3A_604] : memref<128x128xf32, #tpu.memory_space<vmem>>, vector<1x128xf32>
    %dot_general3A_606 = arith.constant dense<0.000000e+00> : vector<128x1xf32>
    %dot_general3A_607 = tpu.matmul %get3A_598, %get3A_605, %dot_general3A_606 {dimension_numbers = #tpu.dot_dimension_numbers<[1], [1], [0], [0], [0, 0, 1, 0], [], []>, transpose_lhs_hint = false} : vector<128x128xf32>, vector<1x128xf32>, vector<128x1xf32> -> vector<128x1xf32>
    %get3A_608 = arith.constant 0 : index
    %get3A_609 = arith.constant 0 : index
    %get3A_610 = vector.load %arg7[%get3A_608, %get3A_609] : memref<128x128xf32, #tpu.memory_space<vmem>>, vector<128x128xf32>
    %mul3A_611 = arith.constant 64 : i32
    %mul3A_612 = arith.muli %mul3A_611, %arg0 : i32
    %add3A_613 = arith.constant 51 : i32
    %add3A_614 = arith.addi %mul3A_612, %add3A_613 : i32
    %get3A_615 = arith.index_cast %add3A_614 : i32 to index
    %get3A_616 = arith.constant 0 : index
    %get3A_617 = vector.load %arg2[%get3A_615, %get3A_616] : memref<128x128xf32, #tpu.memory_space<vmem>>, vector<1x128xf32>
    %dot_general3A_618 = arith.constant dense<0.000000e+00> : vector<128x1xf32>
    %dot_general3A_619 = tpu.matmul %get3A_610, %get3A_617, %dot_general3A_618 {dimension_numbers = #tpu.dot_dimension_numbers<[1], [1], [0], [0], [0, 0, 1, 0], [], []>, transpose_lhs_hint = false} : vector<128x128xf32>, vector<1x128xf32>, vector<128x1xf32> -> vector<128x1xf32>
    %get3A_620 = arith.constant 0 : index
    %get3A_621 = arith.constant 0 : index
    %get3A_622 = vector.load %arg7[%get3A_620, %get3A_621] : memref<128x128xf32, #tpu.memory_space<vmem>>, vector<128x128xf32>
    %mul3A_623 = arith.constant 64 : i32
    %mul3A_624 = arith.muli %mul3A_623, %arg0 : i32
    %add3A_625 = arith.constant 52 : i32
    %add3A_626 = arith.addi %mul3A_624, %add3A_625 : i32
    %get3A_627 = arith.index_cast %add3A_626 : i32 to index
    %get3A_628 = arith.constant 0 : index
    %get3A_629 = vector.load %arg2[%get3A_627, %get3A_628] : memref<128x128xf32, #tpu.memory_space<vmem>>, vector<1x128xf32>
    %dot_general3A_630 = arith.constant dense<0.000000e+00> : vector<128x1xf32>
    %dot_general3A_631 = tpu.matmul %get3A_622, %get3A_629, %dot_general3A_630 {dimension_numbers = #tpu.dot_dimension_numbers<[1], [1], [0], [0], [0, 0, 1, 0], [], []>, transpose_lhs_hint = false} : vector<128x128xf32>, vector<1x128xf32>, vector<128x1xf32> -> vector<128x1xf32>
    %get3A_632 = arith.constant 0 : index
    %get3A_633 = arith.constant 0 : index
    %get3A_634 = vector.load %arg7[%get3A_632, %get3A_633] : memref<128x128xf32, #tpu.memory_space<vmem>>, vector<128x128xf32>
    %mul3A_635 = arith.constant 64 : i32
    %mul3A_636 = arith.muli %mul3A_635, %arg0 : i32
    %add3A_637 = arith.constant 53 : i32
    %add3A_638 = arith.addi %mul3A_636, %add3A_637 : i32
    %get3A_639 = arith.index_cast %add3A_638 : i32 to index
    %get3A_640 = arith.constant 0 : index
    %get3A_641 = vector.load %arg2[%get3A_639, %get3A_640] : memref<128x128xf32, #tpu.memory_space<vmem>>, vector<1x128xf32>
    %dot_general3A_642 = arith.constant dense<0.000000e+00> : vector<128x1xf32>
    %dot_general3A_643 = tpu.matmul %get3A_634, %get3A_641, %dot_general3A_642 {dimension_numbers = #tpu.dot_dimension_numbers<[1], [1], [0], [0], [0, 0, 1, 0], [], []>, transpose_lhs_hint = false} : vector<128x128xf32>, vector<1x128xf32>, vector<128x1xf32> -> vector<128x1xf32>
    %get3A_644 = arith.constant 0 : index
    %get3A_645 = arith.constant 0 : index
    %get3A_646 = vector.load %arg7[%get3A_644, %get3A_645] : memref<128x128xf32, #tpu.memory_space<vmem>>, vector<128x128xf32>
    %mul3A_647 = arith.constant 64 : i32
    %mul3A_648 = arith.muli %mul3A_647, %arg0 : i32
    %add3A_649 = arith.constant 54 : i32
    %add3A_650 = arith.addi %mul3A_648, %add3A_649 : i32
    %get3A_651 = arith.index_cast %add3A_650 : i32 to index
    %get3A_652 = arith.constant 0 : index
    %get3A_653 = vector.load %arg2[%get3A_651, %get3A_652] : memref<128x128xf32, #tpu.memory_space<vmem>>, vector<1x128xf32>
    %dot_general3A_654 = arith.constant dense<0.000000e+00> : vector<128x1xf32>
    %dot_general3A_655 = tpu.matmul %get3A_646, %get3A_653, %dot_general3A_654 {dimension_numbers = #tpu.dot_dimension_numbers<[1], [1], [0], [0], [0, 0, 1, 0], [], []>, transpose_lhs_hint = false} : vector<128x128xf32>, vector<1x128xf32>, vector<128x1xf32> -> vector<128x1xf32>
    %get3A_656 = arith.constant 0 : index
    %get3A_657 = arith.constant 0 : index
    %get3A_658 = vector.load %arg7[%get3A_656, %get3A_657] : memref<128x128xf32, #tpu.memory_space<vmem>>, vector<128x128xf32>
    %mul3A_659 = arith.constant 64 : i32
    %mul3A_660 = arith.muli %mul3A_659, %arg0 : i32
    %add3A_661 = arith.constant 55 : i32
    %add3A_662 = arith.addi %mul3A_660, %add3A_661 : i32
    %get3A_663 = arith.index_cast %add3A_662 : i32 to index
    %get3A_664 = arith.constant 0 : index
    %get3A_665 = vector.load %arg2[%get3A_663, %get3A_664] : memref<128x128xf32, #tpu.memory_space<vmem>>, vector<1x128xf32>
    %dot_general3A_666 = arith.constant dense<0.000000e+00> : vector<128x1xf32>
    %dot_general3A_667 = tpu.matmul %get3A_658, %get3A_665, %dot_general3A_666 {dimension_numbers = #tpu.dot_dimension_numbers<[1], [1], [0], [0], [0, 0, 1, 0], [], []>, transpose_lhs_hint = false} : vector<128x128xf32>, vector<1x128xf32>, vector<128x1xf32> -> vector<128x1xf32>
    %get3A_668 = arith.constant 0 : index
    %get3A_669 = arith.constant 0 : index
    %get3A_670 = vector.load %arg7[%get3A_668, %get3A_669] : memref<128x128xf32, #tpu.memory_space<vmem>>, vector<128x128xf32>
    %mul3A_671 = arith.constant 64 : i32
    %mul3A_672 = arith.muli %mul3A_671, %arg0 : i32
    %add3A_673 = arith.constant 56 : i32
    %add3A_674 = arith.addi %mul3A_672, %add3A_673 : i32
    %get3A_675 = arith.index_cast %add3A_674 : i32 to index
    %get3A_676 = arith.constant 0 : index
    %get3A_677 = vector.load %arg2[%get3A_675, %get3A_676] : memref<128x128xf32, #tpu.memory_space<vmem>>, vector<1x128xf32>
    %dot_general3A_678 = arith.constant dense<0.000000e+00> : vector<128x1xf32>
    %dot_general3A_679 = tpu.matmul %get3A_670, %get3A_677, %dot_general3A_678 {dimension_numbers = #tpu.dot_dimension_numbers<[1], [1], [0], [0], [0, 0, 1, 0], [], []>, transpose_lhs_hint = false} : vector<128x128xf32>, vector<1x128xf32>, vector<128x1xf32> -> vector<128x1xf32>
    %get3A_680 = arith.constant 0 : index
    %get3A_681 = arith.constant 0 : index
    %get3A_682 = vector.load %arg7[%get3A_680, %get3A_681] : memref<128x128xf32, #tpu.memory_space<vmem>>, vector<128x128xf32>
    %mul3A_683 = arith.constant 64 : i32
    %mul3A_684 = arith.muli %mul3A_683, %arg0 : i32
    %add3A_685 = arith.constant 57 : i32
    %add3A_686 = arith.addi %mul3A_684, %add3A_685 : i32
    %get3A_687 = arith.index_cast %add3A_686 : i32 to index
    %get3A_688 = arith.constant 0 : index
    %get3A_689 = vector.load %arg2[%get3A_687, %get3A_688] : memref<128x128xf32, #tpu.memory_space<vmem>>, vector<1x128xf32>
    %dot_general3A_690 = arith.constant dense<0.000000e+00> : vector<128x1xf32>
    %dot_general3A_691 = tpu.matmul %get3A_682, %get3A_689, %dot_general3A_690 {dimension_numbers = #tpu.dot_dimension_numbers<[1], [1], [0], [0], [0, 0, 1, 0], [], []>, transpose_lhs_hint = false} : vector<128x128xf32>, vector<1x128xf32>, vector<128x1xf32> -> vector<128x1xf32>
    %get3A_692 = arith.constant 0 : index
    %get3A_693 = arith.constant 0 : index
    %get3A_694 = vector.load %arg7[%get3A_692, %get3A_693] : memref<128x128xf32, #tpu.memory_space<vmem>>, vector<128x128xf32>
    %mul3A_695 = arith.constant 64 : i32
    %mul3A_696 = arith.muli %mul3A_695, %arg0 : i32
    %add3A_697 = arith.constant 58 : i32
    %add3A_698 = arith.addi %mul3A_696, %add3A_697 : i32
    %get3A_699 = arith.index_cast %add3A_698 : i32 to index
    %get3A_700 = arith.constant 0 : index
    %get3A_701 = vector.load %arg2[%get3A_699, %get3A_700] : memref<128x128xf32, #tpu.memory_space<vmem>>, vector<1x128xf32>
    %dot_general3A_702 = arith.constant dense<0.000000e+00> : vector<128x1xf32>
    %dot_general3A_703 = tpu.matmul %get3A_694, %get3A_701, %dot_general3A_702 {dimension_numbers = #tpu.dot_dimension_numbers<[1], [1], [0], [0], [0, 0, 1, 0], [], []>, transpose_lhs_hint = false} : vector<128x128xf32>, vector<1x128xf32>, vector<128x1xf32> -> vector<128x1xf32>
    %get3A_704 = arith.constant 0 : index
    %get3A_705 = arith.constant 0 : index
    %get3A_706 = vector.load %arg7[%get3A_704, %get3A_705] : memref<128x128xf32, #tpu.memory_space<vmem>>, vector<128x128xf32>
    %mul3A_707 = arith.constant 64 : i32
    %mul3A_708 = arith.muli %mul3A_707, %arg0 : i32
    %add3A_709 = arith.constant 59 : i32
    %add3A_710 = arith.addi %mul3A_708, %add3A_709 : i32
    %get3A_711 = arith.index_cast %add3A_710 : i32 to index
    %get3A_712 = arith.constant 0 : index
    %get3A_713 = vector.load %arg2[%get3A_711, %get3A_712] : memref<128x128xf32, #tpu.memory_space<vmem>>, vector<1x128xf32>
    %dot_general3A_714 = arith.constant dense<0.000000e+00> : vector<128x1xf32>
    %dot_general3A_715 = tpu.matmul %get3A_706, %get3A_713, %dot_general3A_714 {dimension_numbers = #tpu.dot_dimension_numbers<[1], [1], [0], [0], [0, 0, 1, 0], [], []>, transpose_lhs_hint = false} : vector<128x128xf32>, vector<1x128xf32>, vector<128x1xf32> -> vector<128x1xf32>
    %get3A_716 = arith.constant 0 : index
    %get3A_717 = arith.constant 0 : index
    %get3A_718 = vector.load %arg7[%get3A_716, %get3A_717] : memref<128x128xf32, #tpu.memory_space<vmem>>, vector<128x128xf32>
    %mul3A_719 = arith.constant 64 : i32
    %mul3A_720 = arith.muli %mul3A_719, %arg0 : i32
    %add3A_721 = arith.constant 60 : i32
    %add3A_722 = arith.addi %mul3A_720, %add3A_721 : i32
    %get3A_723 = arith.index_cast %add3A_722 : i32 to index
    %get3A_724 = arith.constant 0 : index
    %get3A_725 = vector.load %arg2[%get3A_723, %get3A_724] : memref<128x128xf32, #tpu.memory_space<vmem>>, vector<1x128xf32>
    %dot_general3A_726 = arith.constant dense<0.000000e+00> : vector<128x1xf32>
    %dot_general3A_727 = tpu.matmul %get3A_718, %get3A_725, %dot_general3A_726 {dimension_numbers = #tpu.dot_dimension_numbers<[1], [1], [0], [0], [0, 0, 1, 0], [], []>, transpose_lhs_hint = false} : vector<128x128xf32>, vector<1x128xf32>, vector<128x1xf32> -> vector<128x1xf32>
    %get3A_728 = arith.constant 0 : index
    %get3A_729 = arith.constant 0 : index
    %get3A_730 = vector.load %arg7[%get3A_728, %get3A_729] : memref<128x128xf32, #tpu.memory_space<vmem>>, vector<128x128xf32>
    %mul3A_731 = arith.constant 64 : i32
    %mul3A_732 = arith.muli %mul3A_731, %arg0 : i32
    %add3A_733 = arith.constant 61 : i32
    %add3A_734 = arith.addi %mul3A_732, %add3A_733 : i32
    %get3A_735 = arith.index_cast %add3A_734 : i32 to index
    %get3A_736 = arith.constant 0 : index
    %get3A_737 = vector.load %arg2[%get3A_735, %get3A_736] : memref<128x128xf32, #tpu.memory_space<vmem>>, vector<1x128xf32>
    %dot_general3A_738 = arith.constant dense<0.000000e+00> : vector<128x1xf32>
    %dot_general3A_739 = tpu.matmul %get3A_730, %get3A_737, %dot_general3A_738 {dimension_numbers = #tpu.dot_dimension_numbers<[1], [1], [0], [0], [0, 0, 1, 0], [], []>, transpose_lhs_hint = false} : vector<128x128xf32>, vector<1x128xf32>, vector<128x1xf32> -> vector<128x1xf32>
    %get3A_740 = arith.constant 0 : index
    %get3A_741 = arith.constant 0 : index
    %get3A_742 = vector.load %arg7[%get3A_740, %get3A_741] : memref<128x128xf32, #tpu.memory_space<vmem>>, vector<128x128xf32>
    %mul3A_743 = arith.constant 64 : i32
    %mul3A_744 = arith.muli %mul3A_743, %arg0 : i32
    %add3A_745 = arith.constant 62 : i32
    %add3A_746 = arith.addi %mul3A_744, %add3A_745 : i32
    %get3A_747 = arith.index_cast %add3A_746 : i32 to index
    %get3A_748 = arith.constant 0 : index
    %get3A_749 = vector.load %arg2[%get3A_747, %get3A_748] : memref<128x128xf32, #tpu.memory_space<vmem>>, vector<1x128xf32>
    %dot_general3A_750 = arith.constant dense<0.000000e+00> : vector<128x1xf32>
    %dot_general3A_751 = tpu.matmul %get3A_742, %get3A_749, %dot_general3A_750 {dimension_numbers = #tpu.dot_dimension_numbers<[1], [1], [0], [0], [0, 0, 1, 0], [], []>, transpose_lhs_hint = false} : vector<128x128xf32>, vector<1x128xf32>, vector<128x1xf32> -> vector<128x1xf32>
    %get3A_752 = arith.constant 0 : index
    %get3A_753 = arith.constant 0 : index
    %get3A_754 = vector.load %arg7[%get3A_752, %get3A_753] : memref<128x128xf32, #tpu.memory_space<vmem>>, vector<128x128xf32>
    %mul3A_755 = arith.constant 64 : i32
    %mul3A_756 = arith.muli %mul3A_755, %arg0 : i32
    %add3A_757 = arith.constant 63 : i32
    %add3A_758 = arith.addi %mul3A_756, %add3A_757 : i32
    %get3A_759 = arith.index_cast %add3A_758 : i32 to index
    %get3A_760 = arith.constant 0 : index
    %get3A_761 = vector.load %arg2[%get3A_759, %get3A_760] : memref<128x128xf32, #tpu.memory_space<vmem>>, vector<1x128xf32>
    %dot_general3A_762 = arith.constant dense<0.000000e+00> : vector<128x1xf32>
    %dot_general3A_763 = tpu.matmul %get3A_754, %get3A_761, %dot_general3A_762 {dimension_numbers = #tpu.dot_dimension_numbers<[1], [1], [0], [0], [0, 0, 1, 0], [], []>, transpose_lhs_hint = false} : vector<128x128xf32>, vector<1x128xf32>, vector<128x1xf32> -> vector<128x1xf32>
    %concatenate3A = tpu.concatenate %dot_general3A_7, %dot_general3A_19, %dot_general3A_31, %dot_general3A_43, %dot_general3A_55, %dot_general3A_67, %dot_general3A_79, %dot_general3A_91, %dot_general3A_103, %dot_general3A_115, %dot_general3A_127, %dot_general3A_139, %dot_general3A_151, %dot_general3A_163, %dot_general3A_175, %dot_general3A_187, %dot_general3A_199, %dot_general3A_211, %dot_general3A_223, %dot_general3A_235, %dot_general3A_247, %dot_general3A_259, %dot_general3A_271, %dot_general3A_283, %dot_general3A_295, %dot_general3A_307, %dot_general3A_319, %dot_general3A_331, %dot_general3A_343, %dot_general3A_355, %dot_general3A_367, %dot_general3A_379, %dot_general3A_391, %dot_general3A_403, %dot_general3A_415, %dot_general3A_427, %dot_general3A_439, %dot_general3A_451, %dot_general3A_463, %dot_general3A_475, %dot_general3A_487, %dot_general3A_499, %dot_general3A_511, %dot_general3A_523, %dot_general3A_535, %dot_general3A_547, %dot_general3A_559, %dot_general3A_571, %dot_general3A_583, %dot_general3A_595, %dot_general3A_607, %dot_general3A_619, %dot_general3A_631, %dot_general3A_643, %dot_general3A_655, %dot_general3A_667, %dot_general3A_679, %dot_general3A_691, %dot_general3A_703, %dot_general3A_715, %dot_general3A_727, %dot_general3A_739, %dot_general3A_751, %dot_general3A_763 in 0 : vector<128x1xf32>, vector<128x1xf32>, vector<128x1xf32>, vector<128x1xf32>, vector<128x1xf32>, vector<128x1xf32>, vector<128x1xf32>, vector<128x1xf32>, vector<128x1xf32>, vector<128x1xf32>, vector<128x1xf32>, vector<128x1xf32>, vector<128x1xf32>, vector<128x1xf32>, vector<128x1xf32>, vector<128x1xf32>, vector<128x1xf32>, vector<128x1xf32>, vector<128x1xf32>, vector<128x1xf32>, vector<128x1xf32>, vector<128x1xf32>, vector<128x1xf32>, vector<128x1xf32>, vector<128x1xf32>, vector<128x1xf32>, vector<128x1xf32>, vector<128x1xf32>, vector<128x1xf32>, vector<128x1xf32>, vector<128x1xf32>, vector<128x1xf32>, vector<128x1xf32>, vector<128x1xf32>, vector<128x1xf32>, vector<128x1xf32>, vector<128x1xf32>, vector<128x1xf32>, vector<128x1xf32>, vector<128x1xf32>, vector<128x1xf32>, vector<128x1xf32>, vector<128x1xf32>, vector<128x1xf32>, vector<128x1xf32>, vector<128x1xf32>, vector<128x1xf32>, vector<128x1xf32>, vector<128x1xf32>, vector<128x1xf32>, vector<128x1xf32>, vector<128x1xf32>, vector<128x1xf32>, vector<128x1xf32>, vector<128x1xf32>, vector<128x1xf32>, vector<128x1xf32>, vector<128x1xf32>, vector<128x1xf32>, vector<128x1xf32>, vector<128x1xf32>, vector<128x1xf32>, vector<128x1xf32>, vector<128x1xf32> -> vector<8192x1xf32>
    %get3A_764 = arith.constant 0 : index
    %get3A_765 = arith.constant 0 : index
    %get3A_766 = vector.load %arg3[%get3A_764, %get3A_765] : memref<1x32xf32, #tpu.memory_space<vmem>>, vector<1x32xf32>
    %mul3A_767 = vector.broadcast %concatenate3A : vector<8192x1xf32> to vector<8192x32xf32>
    %mul3A_768 = vector.broadcast %get3A_766 : vector<1x32xf32> to vector<8192x32xf32>
    %mul3A_769 = arith.mulf %mul3A_767, %mul3A_768 : vector<8192x32xf32>
    %get3A_770 = arith.constant 0 : index
    %get3A_771 = arith.constant 0 : index
    %get3A_772 = vector.load %arg4[%get3A_770, %get3A_771] : memref<1x32xf32, #tpu.memory_space<vmem>>, vector<1x32xf32>
    %add3A_773 = vector.broadcast %get3A_772 : vector<1x32xf32> to vector<8192x32xf32>
    %add3A_774 = arith.addf %mul3A_769, %add3A_773 : vector<8192x32xf32>
    %tanh3A = math.tanh %add3A_774 : vector<8192x32xf32>
    %get3A_775 = arith.constant 0 : index
    %get3A_776 = arith.constant 0 : index
    %get3A_777 = vector.load %arg1[%get3A_775, %get3A_776] : memref<8192x128xf32, #tpu.memory_space<vmem>>, vector<8192x128xf32>
    %get3A_778 = arith.constant 0 : index
    %get3A_779 = arith.constant 0 : index
    %get3A_780 = vector.load %arg5[%get3A_778, %get3A_779] : memref<160x128xf32, #tpu.memory_space<vmem>>, vector<128x128xf32>
    %dot_general3A_781 = arith.constant dense<0.000000e+00> : vector<8192x128xf32>
    %dot_general3A_782 = tpu.matmul %get3A_777, %get3A_780, %dot_general3A_781 {dimension_numbers = #tpu.dot_dimension_numbers<[1], [0], [0], [1], [0, 0, 1, 1], [], []>, transpose_lhs_hint = false} : vector<8192x128xf32>, vector<128x128xf32>, vector<8192x128xf32> -> vector<8192x128xf32>
    %get3A_783 = arith.constant 128 : index
    %get3A_784 = arith.constant 0 : index
    %get3A_785 = vector.load %arg5[%get3A_783, %get3A_784] : memref<160x128xf32, #tpu.memory_space<vmem>>, vector<32x128xf32>
    %dot_general3A_786 = arith.constant dense<0.000000e+00> : vector<8192x128xf32>
    %dot_general3A_787 = tpu.matmul %tanh3A, %get3A_785, %dot_general3A_786 {dimension_numbers = #tpu.dot_dimension_numbers<[1], [0], [0], [1], [0, 0, 1, 1], [], []>, transpose_lhs_hint = false} : vector<8192x32xf32>, vector<32x128xf32>, vector<8192x128xf32> -> vector<8192x128xf32>
    %add3A_788 = arith.addf %dot_general3A_782, %dot_general3A_787 : vector<8192x128xf32>
    %get3A_789 = arith.constant 0 : index
    %get3A_790 = arith.constant 0 : index
    %get3A_791 = vector.load %arg6[%get3A_789, %get3A_790] : memref<1x128xf32, #tpu.memory_space<vmem>>, vector<1x128xf32>
    %add3A_792 = vector.broadcast %get3A_791 : vector<1x128xf32> to vector<8192x128xf32>
    %add3A_793 = arith.addf %add3A_788, %add3A_792 : vector<8192x128xf32>
    %tanh3A_794 = math.tanh %add3A_793 : vector<8192x128xf32>
    %swap3A = arith.constant 0 : index
    %swap3A_795 = arith.constant 0 : index
    %swap3A_796 = vector.load %arg8[%swap3A, %swap3A_795] : memref<8192x128xf32, #tpu.memory_space<vmem>>, vector<8192x128xf32>
    tpu.vector_store %arg8[%swap3A, %swap3A_795], %tanh3A_794 {strides = array<i32>} : memref<8192x128xf32, #tpu.memory_space<vmem>>, vector<8192x128xf32>,
    return
  }
  func.func @transform_0(%arg0: i32) -> (i32, i32) {
    %c0_i32 = arith.constant 0 : i32
    %c0_i32_0 = arith.constant 0 : i32
    return %arg0, %c0_i32 : i32, i32
  }
  func.func @transform_1(%arg0: i32) -> (i32, i32) {
    %c0_i32 = arith.constant 0 : i32
    %c0_i32_0 = arith.constant 0 : i32
    %c0_i32_1 = arith.constant 0 : i32
    return %c0_i32, %c0_i32_0 : i32, i32
  }
  func.func @transform_2(%arg0: i32) -> (i32, i32) {
    %c0_i32 = arith.constant 0 : i32
    %c0_i32_0 = arith.constant 0 : i32
    %c0_i32_1 = arith.constant 0 : i32
    return %c0_i32, %c0_i32_0 : i32, i32
  }
  func.func @transform_3(%arg0: i32) -> (i32, i32) {
    %c0_i32 = arith.constant 0 : i32
    %c0_i32_0 = arith.constant 0 : i32
    %c0_i32_1 = arith.constant 0 : i32
    return %c0_i32, %c0_i32_0 : i32, i32
  }
  func.func @transform_4(%arg0: i32) -> (i32, i32) {
    %c0_i32 = arith.constant 0 : i32
    %c0_i32_0 = arith.constant 0 : i32
    %c0_i32_1 = arith.constant 0 : i32
    return %c0_i32, %c0_i32_0 : i32, i32
  }
  func.func @transform_5(%arg0: i32) -> (i32, i32) {
    %c0_i32 = arith.constant 0 : i32
    %c0_i32_0 = arith.constant 0 : i32
    %c0_i32_1 = arith.constant 0 : i32
    return %c0_i32, %c0_i32_0 : i32, i32
  }
  func.func @transform_6(%arg0: i32) -> (i32, i32) {
    %c0_i32 = arith.constant 0 : i32
    %c0_i32_0 = arith.constant 0 : i32
    %c0_i32_1 = arith.constant 0 : i32
    return %c0_i32, %c0_i32_0 : i32, i32
  }
  func.func @transform_7(%arg0: i32) -> (i32, i32) {
    %c0_i32 = arith.constant 0 : i32
    %c0_i32_0 = arith.constant 0 : i32
    return %arg0, %c0_i32 : i32, i32
  }
}

</mosaic_0001>

<sc_bundles>
// kernel: kernel.4.cloned.1.call-start
scs
__scs_entry_jumppad:
0x0: {  	(pc) =	sbr.rel $0x88, $3  }
0x1: {  	(tag) =	ssettag $0x0;
	lr =	simm.s32 $0x1  }
0x2: {  	[smem:$0x3F99] =	sst lr;
	_ =	strace $0xD0000000  }
0x3: {  	_ = 	snop  }
0x4: {  	_ = 	snop  }
0x5: {  	_ = 	snop  }
0x6: {  	_ = 	snop  }
0x7: {  	_ = 	snop  }
__scs_overlays_trampoline_lowered:
0x8: {  	[smem:$0x3FA8] =	sst s0  }
0x9: {  	[smem:$0x3FA9] =	sst s1  }
0xa: {  	[smem:$0x3FAA] =	sst s2  }
0xb: {  	[smem:$0x3FAB] =	sst s3  }
0xc: {  	[smem:$0x3FAC] =	sst s4  }
0xd: {  	[smem:$0x3FAD] =	sst s5  }
0xe: {  	[smem:$0x3FAE] =	sst s6  }
0xf: {  	[smem:$0x3FAF] =	sst s7  }
0x10: {  	[smem:$0x3FB0] =	sst s8  }
0x11: {  	[smem:$0x3FB1] =	sst s9;
	s0 =	simm.s32 @!p0 $0x0  }
0x12: {  	s1 =	sld [smem:$0x3F97];
	s0 =	simm.s32 @p0 $0x1  }
0x13: {  	[smem:$0x3FB2] =	sst s0;
	s0 =	simm.s32 @!p1 $0x0  }
0x14: {  	s2 =	sld [smem:$0x3F96];
	s0 =	simm.s32 @p1 $0x1  }
0x15: {  	[smem:$0x3FB3] =	sst s0;
	s0 =	simm.s32 @!p2 $0x0  }
0x16: {  	s3 =	sld [smem:$0x3FDB];
	s0 =	simm.s32 @p2 $0x1  }
0x17: {  	s4 =	simm.s32 $0x1BF5;
	[smem:$0x3FB5] =	sst s0  }
0x18: {  	s0 =	sld [smem:$0x3F98];
	_ =	swait.ge [sflag:s4], $0x0  }
0x19: {  	s7 =	sld [smem:$0x3F99]  }
0x1a: {  	s8 =	sadd.s32 $0xFFFFE003, lr  }
0x1b: {  	s9 =	sadd.s32 $0xFFFFFEF7, lr;
	s5 =	simm.s32 $0xFFFFFFFF;
	p2 =	slt.u32 s8, $0xFFFFF086  }
0x1c: {  	p1 =	slt.u32 s9, $0xF7A;
	s5 =	simm.s32 @!p2 $0x0  }
0x1d: {  	s5 =	simm.s32 @p1 $0x1;
	p0 =	seq.s32 s7, s2  }
0x1e: {  	s7 =	smul.u32 @!p0 $0xF7A, s2;
	p2 =	seq.s32 @!p0 s5, $0x0  }
0x1f: {  	s9 =	smul.u32 $0xF7A, s1;
	s8 =	simm.s32 @!p0 $0x1BF5;
	p2 =	por !p2, p0  }
0x20: {  	[sflag:s8] =	ssyncset.s32 @!p0 $0xFFFFF086;
	s6 =	sadd.s32 @!p0 s3, s7;
	s7 =	simm.s32 @!p0 $0x108  }
0x21: {  	s3 =	sadd.s32 s3, s9;
	s6 =	sadd.s32 @!p0 $0x88, s6;
	s7 =	simm.s32 @p2 $0x1082  }
0x22: {  	[simem:s7], [sflag:s8] =	dma.local @!p0 [hbm:s6], $0xF7A  }
0x23: {  	s9 =	sor.u32 $0xD0000000, s2;
	s6 =	simm.s32 $0x108;
	_ =	swait.ge @!p0 [sflag:s8], $0x0  }
0x24: {  	s3 =	sadd.s32 $0x88, s3;
	s6 =	simm.s32 @!p1 $0x1082;
	[sflag:s4] =	ssyncset.s32 $0xFFFFF086  }
0x25: {  	[simem:s6], [sflag:s4] =	dma.local [hbm:s3], $0xF7A  }
0x26: {  	[smem:$0x3F99] =	sst s1;
	(tag) =	ssettag s2;
	_ =	strace s9  }
0x27: {  	s1 =	sld [smem:$0x3FA9]  }
0x28: {  	s2 =	sld [smem:$0x3FAA]  }
0x29: {  	s4 =	sld [smem:$0x3FAC]  }
0x2a: {  	p0 =	seq.s32 s5, $0x0;
	s5 =	sld [smem:$0x3FAD]  }
0x2b: {  	s6 =	sld [smem:$0x3FAE]  }
0x2c: {  	s7 =	sld [smem:$0x3FAF]  }
0x2d: {  	s3 =	simm.s32 $0x108;
	s8 =	sld [smem:$0x3FB0]  }
0x2e: {  	s3 =	simm.s32 @!p0 $0x1082;
	s9 =	sld [smem:$0x3FB1]  }
0x2f: {  	lr =	sadd.s32 s0, s3;
	s0 =	sld [smem:$0x3FA8]  }
0x30: {  	s3 =	sld [smem:$0x3FAB]  }
0x31: {  	[smem:$0x3FB4] =	sst s10  }
0x32: {  	s10 =	sld [smem:$0x3FB2];
	_ =	sdelay $0x3  }
0x33: {  	p0 =	seq.s32 s10, $0x1;
	s10 =	sld [smem:$0x3FB4];
	_ =	sdelay $0x3  }
0x34: {  	[smem:$0x3FB4] =	sst s10  }
0x35: {  	s10 =	sld [smem:$0x3FB3];
	_ =	sdelay $0x3  }
0x36: {  	p1 =	seq.s32 s10, $0x1;
	s10 =	sld [smem:$0x3FB4];
	_ =	sdelay $0x3  }
0x37: {  	[smem:$0x3FB4] =	sst s10  }
0x38: {  	s10 =	sld [smem:$0x3FB5]  }
0x39: {  	_ = 	snop;
	(pc) =	sbr.ind lr, $3  }
0x3a: {  	_ = 	snop  }
0x3b: {  	_ = 	snop  }
0x3c: {  	p2 =	seq.s32 s10, $0x1;
	s10 =	sld [smem:$0x3FB4]  }
0x3d: {  	_ =	shalt  }
0x3e: {  	_ =	shalt  }
0x3f: {  	_ =	shalt  }
0x40: {  	_ =	shalt  }
0x41: {  	_ =	shalt  }
0x42: {  	_ =	shalt  }
0x43: {  	_ =	shalt  }
0x44: {  	_ =	shalt  }
0x45: {  	_ =	shalt  }
0x46: {  	_ =	shalt  }
0x47: {  	_ =	shalt  }
0x48: {  	_ =	shalt  }
0x49: {  	_ =	shalt  }
0x4a: {  	_ =	shalt  }
0x4b: {  	_ =	shalt  }
0x4c: {  	_ =	shalt  }
0x4d: {  	_ =	shalt  }
0x4e: {  	_ =	shalt  }
0x4f: {  	_ =	shalt  }
0x50: {  	_ =	shalt  }
0x51: {  	_ =	shalt  }
0x52: {  	_ =	shalt  }
0x53: {  	_ =	shalt  }
0x54: {  	_ =	shalt  }
0x55: {  	_ =	shalt  }
0x56: {  	_ =	shalt  }
0x57: {  	_ =	shalt  }
0x58: {  	_ =	shalt  }
0x59: {  	_ =	shalt  }
0x5a: {  	_ =	shalt  }
0x5b: {  	_ =	shalt  }
0x5c: {  	_ =	shalt  }
0x5d: {  	_ =	shalt  }
0x5e: {  	_ =	shalt  }
0x5f: {  	_ =	shalt  }
0x60: {  	_ =	shalt  }
0x61: {  	_ =	shalt  }
0x62: {  	_ =	shalt  }
0x63: {  	_ =	shalt  }
0x64: {  	_ =	shalt  }
0x65: {  	_ =	shalt  }
0x66: {  	_ =	shalt  }
0x67: {  	_ =	shalt  }
0x68: {  	_ =	shalt  }
0x69: {  	_ =	shalt  }
0x6a: {  	_ =	shalt  }
0x6b: {  	_ =	shalt  }
0x6c: {  	_ =	shalt  }
0x6d: {  	_ =	shalt  }
0x6e: {  	_ =	shalt  }
0x6f: {  	_ =	shalt  }
0x70: {  	_ =	shalt  }
0x71: {  	_ =	shalt  }
0x72: {  	_ =	shalt  }
0x73: {  	_ =	shalt  }
0x74: {  	_ =	shalt  }
0x75: {  	_ =	shalt  }
0x76: {  	_ =	shalt  }
0x77: {  	_ =	shalt  }
0x78: {  	_ =	shalt  }
0x79: {  	_ =	shalt  }
0x7a: {  	_ =	shalt  }
0x7b: {  	_ =	shalt  }
0x7c: {  	_ =	shalt  }
0x7d: {  	_ =	shalt  }
0x7e: {  	_ =	shalt  }
0x7f: {  	_ =	shalt  }
0x80: {  	_ =	shalt  }
0x81: {  	_ =	shalt  }
0x82: {  	_ =	shalt  }
0x83: {  	_ =	shalt  }
0x84: {  	_ =	shalt  }
0x85: {  	_ =	shalt  }
0x86: {  	_ =	shalt  }
0x87: {  	_ =	shalt  }
.Lfunc_end0:
.L_simem_size_0:
called_computation_lowered:
.L_overlay_start_0:
0x88: {  	s2 =	sld [smem:$0x3FD9]  }
0x89: {  	s3 =	sld [smem:$0x3FFE];
	_ =	sdelay $0x1  }
0x8a: {  	s1 =	srdreg.scid  }
0x8b: {  	s0 =	sand.u32 $0x1, s1  }
0x8c: {  	s17 =	sshll.u32 s0, $0xA;
	s2 =	sadd.s32 s3, s2  }
0x8d: {  	s2 =	sadd.s32 s2, s17  }
0x8e: {  	[smem:$0x3FC0] =	sst s2  }
0x8f: {  	_ = 	snop  }
0x90: {  	s2 =	sld [smem:$0x3FC9]  }
0x91: {  	s18 =	sld [smem:$0x3FC8]  }
0x92: {  	s4 =	sld [smem:$0x3FC7]  }
0x93: {  	s5 =	sld [smem:$0x3FC6]  }
0x94: {  	s6 =	sld [smem:$0x3FD0];
	(tm) =	ssettm $0x1  }
0x95: {  	s7 =	sld [smem:$0x3FFB];
	_ =	sdelay $0x3  }
0x96: {  	_ =	strace s7  }
0x97: {  	s7 =	sld [smem:$0x3FFC];
	_ =	sdelay $0x3  }
0x98: {  	_ =	strace s7  }
0x99: {  	s7 =	sld [smem:$0x3FFD];
	_ =	sdelay $0x3  }
0x9a: {  	_ =	strace s7  }
0x9b: {  	_ =	strace $0x8FFFFFFF  }
0x9c: {  	s19 =	sld [smem:$0x3FDB];
	_ =	sdelay $0x1  }
0x9d: {  	s8 =	simm.s32 $_scs_section_size  }
0x9e: {  	s9 =	simm.s32 $_size__tile_overlayer_lowered;
	s10 =	simm.s32 $_tile_overlayer_lowered  }
0x9f: {  	s22 =	simm.s32 $0x1BFF;
	s21 =	sshll.u32 s10, $0x1;
	s7 =	sadd.s32 s8, s19  }
0xa0: {  	s11 =	simm.s32 $0x0;
	s20 =	sshll.u32 s9, $0x1;
	s9 =	sadd.s32 s21, s7  }
0xa1: {  	[timem:s11], [sflag:s22] =	dma.local [hbm:s9], s20  }
0xa2: {  	_ =	swait.ge [sflag:s22], s20  }
0xa3: {  	s8 =	ssub.s32 $0x0, s20;
	[sflag:s22] =	ssyncset.done $0x0  }
0xa4: {  	[sflag:s22] =	ssyncadd.s32 s8;
	_ =	sdelay $0x1  }
0xa5: {  	s23 =	simm.s32 $0x1B8B  }
0xa6: {  	_ =	swait.ge [sflag:s23], $0x1  }
0xa7: {  	[sflag:s23] =	ssyncset.done $0x0  }
0xa8: {  	s25 =	simm.s32 $0x1B8E;
	s24 =	sld [smem:$0x3FFE];
	[sflag:s23] =	ssyncadd.s32 $0xFFFFFFFF  }
0xa9: {  	s26 =	simm.s32 $execute0_lowered;
	[smem:$0x3FD2] =	sst s25  }
0xaa: {  	s9 =	sshll.u32 s26, $0x1;
	_ =	strace $0x80000046;
	[dreg:$0x1] =	wrdreg $0xFFFFFFFF  }
0xab: {  	s28 =	simm.s32 $_size_execute0_lowered;
	s7 =	sadd.s32 s7, s9;
	[dreg:$0x0] =	wrdreg $0x0  }
0xac: {  	s9 =	sshll.u32 s28, $0x1;
	[dreg:$0x2] =	wrdreg s7  }
0xad: {  	[dreg:$0x3] =	wrdreg s9  }
0xae: {  	[dreg:$0x4] =	wrdreg $0xC0  }
0xaf: {  	_ =	task [dreg:s11], $0x5FFFF  }
0xb0: {  	[dreg:$0x1] =	wrdreg $0xFFFFFFFF  }
0xb1: {  	[dreg:$0x0] =	wrdreg $0x60  }
0xb2: {  	[dreg:$0x2] =	wrdreg s2  }
0xb3: {  	[dreg:$0x3] =	wrdreg s4  }
0xb4: {  	[dreg:$0x4] =	wrdreg s5  }
0xb5: {  	[dreg:$0x5] =	wrdreg s18  }
0xb6: {  	[dreg:$0x6] =	wrdreg s6  }
0xb7: {  	[dreg:$0x7] =	wrdreg s24  }
0xb8: {  	[dreg:$0x8] =	wrdreg $0x9  }
0xb9: {  	_ =	task.clear_ibuf [dreg:s11], $0x9FFFF;
	_ =	strace $0x90000046  }
0xba: {  	s29 =	simm.s32 $0x9;
	_ =	strace $0x80000048  }
0xbb: {  	_ =	swait.ge [sflag:s29], $0x1  }
0xbc: {  	[sflag:s29] =	ssyncadd.s32 $0xFFFFFFFF  }
0xbd: {  	_ =	strace $0x90000048  }
0xbe: {  	_ =	sfence  }
0xbf: {  	s30 =	sld [smem:$0x0];
	_ =	sdelay $0x2  }
0xc0: {  	s31 =	sshll.u32 s1, $0xD;
	s1 =	sshrl.u32 s1, $0x2  }
0xc1: {  	s3 =	sand.u32 $0x4000, s31;
	s1 =	sadd.s32 s1, s30  }
0xc2: {  	s0 =	sor.u32 s3, s0;
	s1 =	sshll.u32 s1, $0x11  }
0xc3: {  	s0 =	sor.u32 s1, s0  }
0xc4: {  	s0 =	sadd.s32 $0x8F2B, s0  }
0xc5: {  	[sflag:s0] =	ssyncadd.remote.s32 $0x1  }
0xc6: {  	_ =	sfence.sel $0xFFFF  }
0xc7: {  	[dreg:$0x0] =	wrdreg $0xFFFFFFFF;
	(pc) =	sbr.abs _section_cstart, $3  }
0xc8: {  	[dreg:$0x1] =	wrdreg $0xFFFFFFFF  }
0xc9: {  	_ =	task.clear_ibuf [dreg:s11], $0x2FFFF;
	_ =	strace $0x9FFFFFFF  }
0xca: {  	(tm) =	ssettm $0x7FFFFFFF  }
0xcb: {  	_ =	shalt  }
tec
execute0_lowered:
.L_overlay_start_1:
0x0: {  	(tag) =	ssettag $0x1  }
0x1: {  	s6 =	rddreg [dreg:$0x0]  }
0x2: {  	s1 =	rddreg [dreg:$0x1]  }
0x3: {  	s2 =	rddreg [dreg:$0x2]  }
0x4: {  	s5 =	rddreg [dreg:$0x3]  }
0x5: {  	s8 =	rddreg [dreg:$0x4]  }
0x6: {  	s7 =	rddreg [dreg:$0x5];
	s4 =	srdreg.scid  }
0x7: {  	s0 =	rddreg [dreg:$0x6];
	s3 =	stileid.u32  }
0x8: {  	s14 =	simm.s32 $0x4;
	s15 =	simm.s32 $0x80;
	s16 =	simm.s32 $0x200  }
0x9: {  	s17 =	simm.s32 $0x4200;
	s18 =	simm.s32 $0x100;
	s19 =	simm.s32 $0x8200  }
0xa: {  	s20 =	simm.s32 $0x180;
	s21 =	simm.s32 $0xC200;
	s22 =	simm.s32 $0x10200  }
0xb: {  	s23 =	simm.s32 $0x10280;
	s24 =	simm.s32 $0x10300;
	s25 =	simm.s32 $0x10380  }
0xc: {  	s26 =	simm.s32 $0x3;
	s28 =	simm.s32 $0x2;
	s29 =	simm.s32 $0x10600  }
0xd: {  	s30 =	simm.s32 $0x1;
	s9 =	sand.u32 $0x1, s4;
	s4 =	simm.s32 $0x0  }
0xe: {  	s10 =	sshll.u32 s3, $0x7;
	s13 =	sshll.u32 s3, $0xE;
	s11 =	sshll.u32 s9, $0x6  }
0xf: {  	[smem:$0x7FF] =	sst s4;
	s31 =	ssub.s32 $0x2, s9;
	s9 =	sshll.u32 s9, $0xD  }
0x10: {  	s10 =	sor.u32 s11, s10;
	_ =	strace $0x80000047;
	s12 =	sshrl.u32 s31, $0x1  }
0x11: {  	s9 =	sor.u32 s9, s13;
	s13 =	simm.s32 $0x10400;
	s7 =	sadd.s32 s10, s7  }
0x12: {  	s12 =	ssub.s32 s31, s12;
	s5 =	sadd.s32 s5, s10;
	s8 =	sadd.s32 s8, s9  }
0x13: {  	s6 =	sadd.s32 s6, s10;
	s7 =	sadd.s32 $0x1400, s7;
	s9 =	sadd.s32 $0x800, s8  }
0x14: {  	s10 =	sadd.s32 $0x1000, s8;
	s11 =	sadd.s32 $0x1800, s8;
	s12 =	smax.u32 s12, $0x1  }
.LBB2_1:
0x15: {  	[tilespmem:s13], [sflag:$0x3] =	stream.linear.gather [hbm4b:s5+s4], $0x200, $0x38;
	[tilespmem:$0x10800] =	vst v63  }
0x16: {  	_ = 	snop  }
0x17: {  	[tilespmem:s4], [sflag:$0x4] =	stream.linear.gather [hbm4b:s6+s4], $0x200, $0x38;
	[tilespmem:$0x10800] =	vst v63  }
0x18: {  	_ =	swait.ge [sflag:s14], $0x200  }
0x19: {  	[sflag:s14] =	ssyncset.done $0x0  }
0x1a: {  	[sflag:s14] =	ssyncadd.s32 $0xFFFFFE00  }
0x1b: {  	[tilespmem:s16], [sflag:$0x1] =	stream.indirect.gather [hbm4b:s1+s15], $0x80, s4, s15, $0xb8;
	[tilespmem:$0x10800] =	vst v63  }
0x1c: {  	_ = 	snop  }
0x1d: {  	[tilespmem:s17], [sflag:$0x1] =	stream.indirect.gather [hbm4b:s1+s15], $0x80, s15, s15, $0xb8;
	[tilespmem:$0x10800] =	vst v63  }
0x1e: {  	_ = 	snop  }
0x1f: {  	[tilespmem:s19], [sflag:$0x1] =	stream.indirect.gather [hbm4b:s1+s15], $0x80, s18, s15, $0xb8;
	[tilespmem:$0x10800] =	vst v63  }
0x20: {  	_ = 	snop  }
0x21: {  	[tilespmem:s21], [sflag:$0x1] =	stream.indirect.gather [hbm4b:s1+s15], $0x80, s20, s15, $0xb8;
	[tilespmem:$0x10800] =	vst v63  }
0x22: {  	_ = 	snop  }
0x23: {  	[tilespmem:s22], [sflag:$0x2] =	stream.indirect.gather [hbm4b:s2+s15], $0x1, s4, s15, $0xb8;
	[tilespmem:$0x10800] =	vst v63  }
0x24: {  	_ = 	snop  }
0x25: {  	[tilespmem:s23], [sflag:$0x2] =	stream.indirect.gather [hbm4b:s2+s15], $0x1, s15, s15, $0xb8;
	[tilespmem:$0x10800] =	vst v63  }
0x26: {  	_ = 	snop  }
0x27: {  	[tilespmem:s24], [sflag:$0x2] =	stream.indirect.gather [hbm4b:s2+s15], $0x1, s18, s15, $0xb8;
	[tilespmem:$0x10800] =	vst v63  }
0x28: {  	_ = 	snop  }
0x29: {  	[tilespmem:s25], [sflag:$0x2] =	stream.indirect.gather [hbm4b:s2+s15], $0x1, s20, s15, $0xb8;
	[tilespmem:$0x10800] =	vst v63  }
0x2a: {  	_ =	swait.ge [sflag:s26], $0x200  }
0x2b: {  	[sflag:s26] =	ssyncset.done $0x0  }
0x2c: {  	[sflag:s26] =	ssyncadd.s32 $0xFFFFFE00  }
0x2d: {  	_ =	swait.ge [sflag:s28], $0x80  }
0x2e: {  	[sflag:s28] =	ssyncset.done $0x0  }
0x2f: {  	[sflag:s28] =	ssyncadd.s32 $0xFFFFFF80  }
0x30: {  	_ =	swait.ge [sflag:s28], $0x80  }
0x31: {  	[sflag:s28] =	ssyncset.done $0x0  }
0x32: {  	[sflag:s28] =	ssyncadd.s32 $0xFFFFFF80  }
0x33: {  	_ =	swait.ge [sflag:s28], $0x80  }
0x34: {  	[sflag:s28] =	ssyncset.done $0x0  }
0x35: {  	[sflag:s28] =	ssyncadd.s32 $0xFFFFFF80  }
0x36: {  	_ =	swait.ge [sflag:s28], $0x80  }
0x37: {  	[sflag:s28] =	ssyncset.done $0x0  }
0x38: {  	[sflag:s28] =	ssyncadd.s32 $0xFFFFFF80  }
0x39: {  	v0 =	vld [tilespmem:$0x10400]  }
0x3a: {  	v1 =	vld [tilespmem:$0x10200]  }
0x3b: {  	v2 =	vld [tilespmem:$0x10410]  }
0x3c: {  	v3 =	vld [tilespmem:$0x10210]  }
0x3d: {  	v4 =	vld [tilespmem:$0x10420]  }
0x3e: {  	v5 =	vld [tilespmem:$0x10220]  }
0x3f: {  	v6 =	vld [tilespmem:$0x10430]  }
0x40: {  	v7 =	vld [tilespmem:$0x10230]  }
0x41: {  	v8 =	vld [tilespmem:$0x10440]  }
0x42: {  	v9 =	vld [tilespmem:$0x10240]  }
0x43: {  	v10 =	vld [tilespmem:$0x10450]  }
0x44: {  	v11 =	vld [tilespmem:$0x10250]  }
0x45: {  	v12 =	vld [tilespmem:$0x10460]  }
0x46: {  	v13 =	vld [tilespmem:$0x10260]  }
0x47: {  	v14 =	vld [tilespmem:$0x10470]  }
0x48: {  	v15 =	vld [tilespmem:$0x10270]  }
0x49: {  	v16 =	vld [tilespmem:$0x10480]  }
0x4a: {  	v17 =	vld [tilespmem:$0x10280]  }
0x4b: {  	v18 =	vld [tilespmem:$0x10490]  }
0x4c: {  	v19 =	vld [tilespmem:$0x10290]  }
0x4d: {  	v20 =	vld [tilespmem:$0x104A0]  }
0x4e: {  	v21 =	vld [tilespmem:$0x102A0]  }
0x4f: {  	v22 =	vld [tilespmem:$0x104B0]  }
0x50: {  	v23 =	vld [tilespmem:$0x102B0]  }
0x51: {  	v24 =	vld [tilespmem:$0x104C0]  }
0x52: {  	v25 =	vld [tilespmem:$0x102C0]  }
0x53: {  	v26 =	vld [tilespmem:$0x104D0]  }
0x54: {  	v27 =	vld [tilespmem:$0x102D0]  }
0x55: {  	v28 =	vld [tilespmem:$0x104E0]  }
0x56: {  	v29 =	vld [tilespmem:$0x102E0]  }
0x57: {  	v30 =	vld [tilespmem:$0x104F0]  }
0x58: {  	v31 =	vld [tilespmem:$0x102F0]  }
0x59: {  	v32 =	vld [tilespmem:$0x10500]  }
0x5a: {  	v33 =	vld [tilespmem:$0x10300]  }
0x5b: {  	v34 =	vld [tilespmem:$0x10510]  }
0x5c: {  	v35 =	vld [tilespmem:$0x10310]  }
0x5d: {  	v36 =	vld [tilespmem:$0x10520]  }
0x5e: {  	v46 =	vld [tilespmem:$0x10320];
	v0 =	vsub.f32 v0, v1  }
0x5f: {  	v47 =	vld [tilespmem:$0x10530];
	v2 =	vsub.f32 v2, v3  }
0x60: {  	v49 =	vld [tilespmem:$0x10330];
	v48 =	vsub.f32 v4, v5;
	[tilespmem:$0x10600] =	vst v0  }
0x61: {  	v51 =	vld [tilespmem:$0x10540];
	v50 =	vsub.f32 v6, v7;
	[tilespmem:$0x10610] =	vst v2  }
0x62: {  	v53 =	vld [tilespmem:$0x10340];
	v52 =	vsub.f32 v8, v9;
	[tilespmem:$0x10620] =	vst v48  }
0x63: {  	v55 =	vld [tilespmem:$0x10550];
	v54 =	vsub.f32 v10, v11;
	[tilespmem:$0x10630] =	vst v50  }
0x64: {  	v57 =	vld [tilespmem:$0x10350];
	v56 =	vsub.f32 v12, v13;
	[tilespmem:$0x10640] =	vst v52  }
0x65: {  	v59 =	vld [tilespmem:$0x10560];
	v58 =	vsub.f32 v14, v15;
	[tilespmem:$0x10650] =	vst v54  }
0x66: {  	v61 =	vld [tilespmem:$0x10360];
	v60 =	vsub.f32 v16, v17;
	[tilespmem:$0x10660] =	vst v56  }
0x67: {  	v63 =	vld [tilespmem:$0x10570];
	v62 =	vsub.f32 v18, v19;
	[tilespmem:$0x10670] =	vst v58  }
0x68: {  	v37 =	vld [tilespmem:$0x105A0];
	v20 =	vsub.f32 v20, v21;
	[tilespmem:$0x10680] =	vst v60  }
0x69: {  	v39 =	vld [tilespmem:$0x103A0];
	v22 =	vsub.f32 v22, v23;
	[tilespmem:$0x10690] =	vst v62  }
0x6a: {  	v41 =	vld [tilespmem:$0x105B0];
	v24 =	vsub.f32 v24, v25;
	[tilespmem:$0x106A0] =	vst v20  }
0x6b: {  	v43 =	vld [tilespmem:$0x103B0];
	v26 =	vsub.f32 v26, v27;
	[tilespmem:$0x106B0] =	vst v22  }
0x6c: {  	v45 =	vld [tilespmem:$0x105C0];
	v28 =	vsub.f32 v28, v29;
	[tilespmem:$0x106C0] =	vst v24  }
0x6d: {  	v21 =	vld [tilespmem:$0x10370];
	v31 =	vsub.f32 v30, v31;
	[tilespmem:$0x106D0] =	vst v26  }
0x6e: {  	v23 =	vld [tilespmem:$0x10580];
	v38 =	vsub.f32 v32, v33;
	[tilespmem:$0x106E0] =	vst v28  }
0x6f: {  	v25 =	vld [tilespmem:$0x10380];
	v40 =	vsub.f32 v34, v35;
	[tilespmem:$0x106F0] =	vst v31  }
0x70: {  	v27 =	vld [tilespmem:$0x10590];
	v42 =	vsub.f32 v36, v46;
	[tilespmem:$0x10700] =	vst v38  }
0x71: {  	v29 =	vld [tilespmem:$0x10390];
	v44 =	vsub.f32 v47, v49;
	[tilespmem:$0x10710] =	vst v40  }
0x72: {  	v46 =	vsub.f32 v51, v53;
	v47 =	vld [tilespmem:$0x103C0];
	[tilespmem:$0x10720] =	vst v42  }
0x73: {  	v49 =	vld [tilespmem:$0x105D0];
	v1 =	vsub.f32 v41, v43;
	[tilespmem:$0x10730] =	vst v44  }
0x74: {  	v51 =	vld [tilespmem:$0x103D0];
	v48 =	vsub.f32 v55, v57;
	[tilespmem:$0x10740] =	vst v46  }
0x75: {  	v53 =	vld [tilespmem:$0x105E0];
	v50 =	vsub.f32 v59, v61;
	[tilespmem:$0x107B0] =	vst v1  }
0x76: {  	v55 =	vld [tilespmem:$0x103E0];
	v58 =	vsub.f32 v37, v39;
	[tilespmem:$0x10750] =	vst v48  }
0x77: {  	v57 =	vld [tilespmem:$0x105F0];
	[tilespmem:$0x10760] =	vst v50;
	v52 =	vsub.f32 v63, v21  }
0x78: {  	v59 =	vld [tilespmem:$0x103F0];
	[tilespmem:$0x107A0] =	vst v58;
	v54 =	vsub.f32 v23, v25  }
0x79: {  	v56 =	vsub.f32 v27, v29;
	[tilespmem:$0x10770] =	vst v52  }
0x7a: {  	v60 =	vsub.f32 v45, v47;
	[tilespmem:$0x10780] =	vst v54  }
0x7b: {  	v61 =	vsub.f32 v49, v51;
	[tilespmem:$0x10790] =	vst v56  }
0x7c: {  	[tilespmem:$0x107C0] =	vst v60;
	v62 =	vsub.f32 v53, v55  }
0x7d: {  	[tilespmem:$0x107D0] =	vst v61;
	v63 =	vsub.f32 v57, v59  }
0x7e: {  	[tilespmem:$0x107E0] =	vst v62  }
0x7f: {  	[tilespmem:$0x107F0] =	vst v63  }
0x80: {  	[hbm4b:s7+s4] =	stream.linear.scatter [tilespmem:s29], [sflag:$0x2], $0x200, $0x38;
	[tilespmem:$0x10800] =	vst v63  }
0x81: {  	_ =	swait.ge [sflag:s30], $0x4000  }
0x82: {  	[sflag:s30] =	ssyncset.done $0x0  }
0x83: {  	[sflag:s30] =	ssyncadd.s32 $0xFFFFC000  }
0x84: {  	[hbm4b:s8+s4] =	stream.linear.scatter [tilespmem:s16], [sflag:$0x3], $0x4000, $0x38;
	[tilespmem:$0x10800] =	vst v63  }
0x85: {  	_ =	swait.ge [sflag:s30], $0x4000  }
0x86: {  	[sflag:s30] =	ssyncset.done $0x0  }
0x87: {  	[sflag:s30] =	ssyncadd.s32 $0xFFFFC000  }
0x88: {  	[hbm4b:s9+s4] =	stream.linear.scatter [tilespmem:s17], [sflag:$0x3], $0x4000, $0x38;
	[tilespmem:$0x10800] =	vst v63  }
0x89: {  	_ =	swait.ge [sflag:s30], $0x4000  }
0x8a: {  	[sflag:s30] =	ssyncset.done $0x0  }
0x8b: {  	[sflag:s30] =	ssyncadd.s32 $0xFFFFC000  }
0x8c: {  	[hbm4b:s10+s4] =	stream.linear.scatter [tilespmem:s19], [sflag:$0x3], $0x4000, $0x38;
	[tilespmem:$0x10800] =	vst v63  }
0x8d: {  	_ =	swait.ge [sflag:s30], $0x4000  }
0x8e: {  	[sflag:s30] =	ssyncset.done $0x0  }
0x8f: {  	[sflag:s30] =	ssyncadd.s32 $0xFFFFC000  }
0x90: {  	[hbm4b:s11+s4] =	stream.linear.scatter [tilespmem:s21], [sflag:$0x3], $0x4000, $0x38;
	[tilespmem:$0x10800] =	vst v63  }
0x91: {  	_ =	swait.ge [sflag:s28], $0x200  }
0x92: {  	[sflag:s28] =	ssyncset.done $0x0  }
0x93: {  	[sflag:s28] =	ssyncadd.s32 $0xFFFFFE00  }
0x94: {  	_ =	swait.ge [sflag:s26], $0x4000  }
0x95: {  	[sflag:s26] =	ssyncset.done $0x0  }
0x96: {  	[sflag:s26] =	ssyncadd.s32 $0xFFFFC000  }
0x97: {  	_ =	swait.ge [sflag:s26], $0x4000  }
0x98: {  	[sflag:s26] =	ssyncset.done $0x0  }
0x99: {  	[sflag:s26] =	ssyncadd.s32 $0xFFFFC000  }
0x9a: {  	p0 =	sne.s32 s12, $0x1;
	_ =	swait.ge [sflag:s26], $0x4000  }
.Ltmp0:
0x9b: {  	[sflag:s26] =	ssyncset.done $0x0;
	(pc) =	sbr.rel @p0 .LBB2_1-.Ltmp0, $4  }
0x9c: {  	[sflag:s26] =	ssyncadd.s32 $0xFFFFC000  }
0x9d: {  	_ =	swait.ge [sflag:s26], $0x4000  }
0x9e: {  	[sflag:s26] =	ssyncset.done $0x0  }
0x9f: {  	s12 =	sadd.s32 $0xFFFFFFFF, s12;
	[sflag:s26] =	ssyncadd.s32 $0xFFFFC000  }
0xa0: {  	_ =	sfence.sel $0x180000  }
0xa1: {  	[bflag:$0x0] =	sbarrier.arrive $0xFFFF  }
0xa2: {  	p0 =	sne.s32 s3, $0x0;
	_ =	strace $0x90000047  }
0xa3: {  	s0 =	sadd.s32 @!p0 $0x100000, s0;
	[bflag:$0x2] =	sbarrier.arrive $0xFFFF  }
0xa4: {  	[sflag:s0] =	ssyncadd.tile.s32 @!p0 $0x1;
	_ =	shalt  }
.Lfunc_end2:
_tile_overlayer_lowered:
.L_overlay_start_2:
0xa5: {  	(tag) =	ssettag $0x2  }
0xa6: {  	s0 =	rddreg [dreg:$0x0];
	s2 =	stileid.u32  }
0xa7: {  	s1 =	rddreg [dreg:$0x1];
	p0 =	sne.s32 s2, $0x0  }
0xa8: {  	s3 =	rddreg [dreg:$0x2];
	[bflag:$0x3] =	sbarrier.arrive $0xFFFF;
	s2 =	simm.s32 @!p0 $0x1C04  }
0xa9: {  	[timem:s3], [sflag:s2] =	dma.local @!p0 [hbm:s0], s1  }
0xaa: {  	s0 =	simm.s32 @!p0 $0x4  }
0xab: {  	_ =	swait.ge @!p0 [sflag:s0], s1  }
0xac: {  	s1 =	ssub.s32 @!p0 $0x0, s1;
	[sflag:s0] =	ssyncset.done @!p0 $0x0  }
0xad: {  	[sflag:s0] =	ssyncadd.s32 @!p0 s1  }
0xae: {  	[bflag:$0x3] =	sbarrier.arrive $0xFFFF  }
0xaf: {  	_ =	shalt  }

</sc_bundles>
